<compile_context>
chip_gen: v7x
topology: tpu7x:2x2x1
jax: 0.10.2.dev20260603
libtpu: 0.0.44.dev20260713+nightly
codegen_flags: <defaults>
</compile_context>

<pallas_src>
import jax
import jax.numpy as jnp
from jax import lax
from jax.experimental import pallas as pl
from jax.experimental.pallas import tpu as pltpu
from jax.experimental.pallas import tpu_sc as plsc

NUM_OCCASIONS = 25
NUM_SEASONS = 4
EMB_DIM = 256
SEASON_DIM = EMB_DIM // 4
IN_DIM = EMB_DIM + SEASON_DIM
HIDDEN = 512
BATCH = 16384
NUM_COMBO = NUM_OCCASIONS * NUM_SEASONS
TAB_ROWS = 128

_NC = 2
_NS = 16
_NW = _NC * _NS
_S = 1024
_S0 = BATCH - _S
_BPW = _S // _NW
_CH = 32
_NCH = _BPW // _CH
_TCBLK = 3072


def _compute_table(occ_ref, sea_ref, w1t_ref, b1_ref, w2_ref, b2_ref):
    a = lax.dot_general(
        occ_ref[...], w1t_ref[:EMB_DIM, :],
        (((1,), (0,)), ((), ())),
        preferred_element_type=jnp.float32)
    b = lax.dot_general(
        sea_ref[...], w1t_ref[EMB_DIM:, :],
        (((1,), (0,)), ((), ())),
        preferred_element_type=jnp.float32)
    rows_o = lax.broadcasted_iota(jnp.int32, (TAB_ROWS, NUM_OCCASIONS), 0)
    cols_o = lax.broadcasted_iota(jnp.int32, (TAB_ROWS, NUM_OCCASIONS), 1)
    r = (rows_o // NUM_SEASONS == cols_o).astype(jnp.float32)
    rows_s = lax.broadcasted_iota(jnp.int32, (TAB_ROWS, NUM_SEASONS), 0)
    cols_s = lax.broadcasted_iota(jnp.int32, (TAB_ROWS, NUM_SEASONS), 1)
    s = ((rows_s % NUM_SEASONS == cols_s) & (rows_s < NUM_COMBO)
         ).astype(jnp.float32)
    h = (
        lax.dot_general(r, a, (((1,), (0,)), ((), ())),
                        preferred_element_type=jnp.float32)
        + lax.dot_general(s, b, (((1,), (0,)), ((), ())),
                          preferred_element_type=jnp.float32)
        + b1_ref[...]
    )
    g = 0.5 * h * (1.0 + lax.erf(h * (2.0 ** -0.5)))
    return (
        lax.dot_general(g, w2_ref[...], (((1,), (1,)), ((), ())),
                        preferred_element_type=jnp.float32)
        + b2_ref[...]
    )


def _combined_idx(occ_ids, sea_ids):
    oi = jnp.clip(occ_ids, 0, NUM_OCCASIONS - 1)
    si = jnp.clip(sea_ids, 0, NUM_SEASONS - 1)
    return oi * NUM_SEASONS + si


def _table_body(occ_ids_ref, sea_ids_ref, occ_ref, sea_ref, w1t_ref, b1_ref,
                w2_ref, b2_ref, o_ref, idx_ref):
    idx_ref[...] = _combined_idx(occ_ids_ref[...], sea_ids_ref[...])
    o_ref[...] = _compute_table(occ_ref, sea_ref, w1t_ref, b1_ref, w2_ref,
                                b2_ref)


def _build_table(occ_ids2d, sea_ids2d, occ_table, season_table, W1t, b1r, W2,
                 b2r):
    zero = lambda g: (0, 0)
    tail = lambda g: (_S0 // _S, 0)
    return pl.pallas_call(
        _table_body,
        grid=(1,),
        in_specs=[
            pl.BlockSpec((_S // 128, 128), tail),
            pl.BlockSpec((_S // 128, 128), tail),
            pl.BlockSpec((NUM_OCCASIONS, EMB_DIM), zero),
            pl.BlockSpec((NUM_SEASONS, SEASON_DIM), zero),
            pl.BlockSpec((IN_DIM, HIDDEN), zero),
            pl.BlockSpec((1, HIDDEN), zero),
            pl.BlockSpec((HIDDEN, HIDDEN), zero),
            pl.BlockSpec((1, HIDDEN), zero),
        ],
        out_specs=(
            pl.BlockSpec((TAB_ROWS, HIDDEN), zero),
            pl.BlockSpec((_S // 128, 128), zero),
        ),
        out_shape=(
            jax.ShapeDtypeStruct((TAB_ROWS, HIDDEN), jnp.float32),
            jax.ShapeDtypeStruct((_S // 128, 128), jnp.int32),
        ),
    )(occ_ids2d, sea_ids2d, occ_table, season_table, W1t, b1r, W2, b2r)


def _gather_body(tab_hbm, idx_hbm, out_hbm, idx_v, buf0, buf1, sg0, sg1, so0,
                 so1):
    wid = lax.axis_index("s") * _NC + lax.axis_index("c")
    base = wid * _BPW
    pltpu.sync_copy(idx_hbm.at[pl.ds(base, _BPW)], idx_v)
    bufs = (buf0, buf1)
    gsems = (sg0, sg1)
    osems = (so0, so1)
    gcp = [None, None]
    ocp = [None, None]
    gcp[0] = pltpu.async_copy(
        tab_hbm.at[idx_v.at[pl.ds(0, _CH)]], buf0, sg0)
    for c in range(_NCH):
        b = c & 1
        gcp[b].wait()
        if c + 1 < _NCH:
            nb = b ^ 1
            if c >= 1:
                ocp[nb].wait()
            gcp[nb] = pltpu.async_copy(
                tab_hbm.at[idx_v.at[pl.ds((c + 1) * _CH, _CH)]],
                bufs[nb], gsems[nb])
        ocp[b] = pltpu.async_copy(
            bufs[b], out_hbm.at[pl.ds(base + c * _CH, _CH)], osems[b])
    ocp[(_NCH - 1) & 1].wait()
    if _NCH > 1:
        ocp[(_NCH - 2) & 1].wait()


def _sc_gather(table, idx):
    mesh = plsc.VectorSubcoreMesh(core_axis_name="c", subcore_axis_name="s",
                                  num_cores=_NC, num_subcores=_NS)
    return pl.kernel(
        _gather_body,
        out_type=jax.ShapeDtypeStruct((_S, HIDDEN), jnp.float32),
        mesh=mesh,
        scratch_types=[
            pltpu.VMEM((_BPW,), jnp.int32),
            pltpu.VMEM((_CH, HIDDEN), jnp.float32),
            pltpu.VMEM((_CH, HIDDEN), jnp.float32),
            pltpu.SemaphoreType.DMA,
            pltpu.SemaphoreType.DMA,
            pltpu.SemaphoreType.DMA,
            pltpu.SemaphoreType.DMA,
        ],
    )(table, idx)


def _expand_body(occ_ids_ref, sea_ids_ref, occ_ref, sea_ref, w1t_ref, b1_ref,
                 w2_ref, b2_ref, out_ref, tab_ref):
    @pl.when(pl.program_id(0) == 0)
    def _():
        tab_ref[...] = _compute_table(occ_ref, sea_ref, w1t_ref, b1_ref,
                                      w2_ref, b2_ref)

    idx_blk = _combined_idx(occ_ids_ref[...], sea_ids_ref[...])
    tab = tab_ref[...]
    combo = lax.broadcasted_iota(jnp.int32, (TAB_ROWS, 128), 0)
    for j in range(_TCBLK // 128):
        idx_row = idx_blk[j:j + 1, :]
        oh = (combo == idx_row).astype(jnp.float32)
        out_ref[j * 128:(j + 1) * 128, :] = lax.dot_general(
            oh, tab, (((0,), (0,)), ((), ())),
            preferred_element_type=jnp.float32)


def _tc_expand(occ2d, sea2d, occ_table, season_table, W1t, b1r, W2, b2r):
    nblk = _S0 // _TCBLK
    full = lambda shape: pl.BlockSpec(shape, lambda g: (0, 0))
    return pl.pallas_call(
        _expand_body,
        grid=(nblk,),
        in_specs=[
            pl.BlockSpec((_TCBLK // 128, 128), lambda g: (g, 0)),
            pl.BlockSpec((_TCBLK // 128, 128), lambda g: (g, 0)),
            full((NUM_OCCASIONS, EMB_DIM)),
            full((NUM_SEASONS, SEASON_DIM)),
            full((IN_DIM, HIDDEN)),
            full((1, HIDDEN)),
            full((HIDDEN, HIDDEN)),
            full((1, HIDDEN)),
        ],
        out_specs=pl.BlockSpec((_TCBLK, HIDDEN), lambda g: (g, 0)),
        out_shape=jax.ShapeDtypeStruct((BATCH, HIDDEN), jnp.float32),
        scratch_shapes=[pltpu.VMEM((TAB_ROWS, HIDDEN), jnp.float32)],
    )(occ2d, sea2d, occ_table, season_table, W1t, b1r, W2, b2r)


def _combine_body(sc_ref, _inout_ref, out_ref):
    out_ref[...] = sc_ref[...]


def _combine(sc_out, tc_out):
    return pl.pallas_call(
        _combine_body,
        grid=(1,),
        in_specs=[
            pl.BlockSpec((_S, HIDDEN), lambda g: (0, 0)),
            pl.BlockSpec(memory_space=pl.ANY),
        ],
        out_specs=pl.BlockSpec((_S, HIDDEN), lambda g: (_S0 // _S, 0)),
        out_shape=jax.ShapeDtypeStruct((BATCH, HIDDEN), jnp.float32),
        input_output_aliases={1: 0},
    )(sc_out, tc_out)


def kernel(occasion_ids, season_ids, occ_table, season_table, W1, b1, W2, b2):
    occ2d = occasion_ids.astype(jnp.int32).reshape(BATCH // 128, 128)
    sea2d = season_ids.astype(jnp.int32).reshape(BATCH // 128, 128)
    W1t = W1.T
    b1r = b1.reshape(1, HIDDEN)
    b2r = b2.reshape(1, HIDDEN)
    table, idx2d = _build_table(
        occ2d, sea2d, occ_table, season_table, W1t, b1r, W2, b2r)
    sc_out = _sc_gather(table, idx2d.reshape(_S))
    tc_out = _tc_expand(occ2d, sea2d, occ_table, season_table, W1t, b1r, W2,
                        b2r)
    return _combine(sc_out, tc_out)

# --- scband reference (transcript-rebuilt; emitter-appended) ---
"""Pipeline reference for scband-occasion-encoder-36842229465588 (READ-ONLY COPY).

The authoritative reference and input builder live on the scoring server;
editing this copy changes nothing except your own understanding.
"""

import jax, jax.numpy as jnp
import numpy as np

NUM_OCCASIONS = 25
NUM_SEASONS = 4
EMB_DIM = 256
SEASON_DIM = EMB_DIM // 4
HIDDEN = 512
BATCH = 16384


def setup_inputs(seed: int = 0) -> dict:
    key = jax.random.key(seed)
    k1, k2, k3, k4, k5, k6, k7, k8 = jax.random.split(key, 8)
    occasion_ids = jax.random.randint(k1, (BATCH,), 0, NUM_OCCASIONS, dtype=jnp.int64 if jax.config.jax_enable_x64 else jnp.int32)
    season_ids = jax.random.randint(k2, (BATCH,), 0, NUM_SEASONS, dtype=jnp.int64 if jax.config.jax_enable_x64 else jnp.int32)
    occ_table = jax.random.normal(k3, (NUM_OCCASIONS, EMB_DIM), dtype=jnp.float32)
    season_table = jax.random.normal(k4, (NUM_SEASONS, SEASON_DIM), dtype=jnp.float32)
    in_dim = EMB_DIM + SEASON_DIM
    lim1 = 1.0 / np.sqrt(in_dim)
    W1 = jax.random.uniform(k5, (HIDDEN, in_dim), minval=-lim1, maxval=lim1, dtype=jnp.float32)
    b1 = jax.random.uniform(k6, (HIDDEN,), minval=-lim1, maxval=lim1, dtype=jnp.float32)
    lim2 = 1.0 / np.sqrt(HIDDEN)
    W2 = jax.random.uniform(k7, (HIDDEN, HIDDEN), minval=-lim2, maxval=lim2, dtype=jnp.float32)
    b2 = jax.random.uniform(k8, (HIDDEN,), minval=-lim2, maxval=lim2, dtype=jnp.float32)
    return {"occasion_ids": occasion_ids, "season_ids": season_ids,
            "occ_table": occ_table, "season_table": season_table,
            "W1": W1, "b1": b1, "W2": W2, "b2": b2}


def reference(occasion_ids, season_ids, occ_table, season_table, W1, b1, W2, b2):
    # clamp indices (as in torch module)
    occ_idx = jnp.clip(occasion_ids, 0, NUM_OCCASIONS - 1)
    sea_idx = jnp.clip(season_ids, 0, 3)
    # embedding lookups (gather -> SparseCore friendly)
    occ_emb = jnp.take(occ_table, occ_idx, axis=0)
    sea_emb = jnp.take(season_table, sea_idx, axis=0)
    combined = jnp.concatenate([occ_emb, sea_emb], axis=-1)
    # Linear -> GELU (exact, erf-based like torch default) -> (Dropout=identity in eval) -> Linear
    h = combined @ W1.T + b1
    h = jax.nn.gelu(h, approximate=False)
    out = h @ W2.T + b2
    return out

if __name__ == "__main__":
    import jax
    _d = setup_inputs()
    print(jax.jit(kernel)(*tuple(_d.values())))

</pallas_src>

<mosaic_0001>
#map = affine_map<(d0, d1) -> (0, 0)>
#map1 = affine_map<(d0, d1) -> (0)>
module attributes {stable_mosaic.version = 14 : i64} {
  func.func @_gather_body(%arg0: i32, %arg1: i32, %arg2: memref<128x512xf32, #tpu.memory_space<hbm>>, %arg3: memref<1024xi32, #tpu.memory_space<hbm>>, %arg4: memref<1024x512xf32, #tpu.memory_space<hbm>>, %arg5: memref<32xi32, #tpu.memory_space<vmem>>, %arg6: memref<32x512xf32, #tpu.memory_space<vmem>>, %arg7: memref<32x512xf32, #tpu.memory_space<vmem>>, %arg8: memref<!tpu.dma_semaphore, #tpu.memory_space<semaphore_mem>>, %arg9: memref<!tpu.dma_semaphore, #tpu.memory_space<semaphore_mem>>, %arg10: memref<!tpu.dma_semaphore, #tpu.memory_space<semaphore_mem>>, %arg11: memref<!tpu.dma_semaphore, #tpu.memory_space<semaphore_mem>>) attributes {dimension_semantics = [#tpu.dimension_semantics<core_parallel>, #tpu.dimension_semantics<subcore_parallel>], iteration_bounds = array<i64: 2, 16>, scalar_prefetch = 0 : i64, scratch_operands = 7 : i64, tpu.core_type = #tpu.core_type<sc_vector_subcore>, window_params = [{transform_indices = #map}, {transform_indices = #map1}, {transform_indices = #map}]} {
    %mul3A = arith.constant 2 : i32
    %mul3A_0 = arith.muli %arg1, %mul3A : i32
    %add3A = arith.addi %mul3A_0, %arg0 : i32
    %mul3A_1 = arith.constant 32 : i32
    %mul3A_2 = arith.muli %add3A, %mul3A_1 : i32
    "tpu.region"() ({
      %run_scoped3A = tpu.sem_alloc : memref<!tpu.dma_semaphore, #tpu.memory_space<semaphore_mem>>
      %dma_start3A_21 = tpu.memref_slice %arg3[%mul3A_2] : memref<1024xi32, #tpu.memory_space<hbm>> -> memref<32xi32, #tpu.memory_space<hbm>>
      %dma_start3A_22 = tpu.memref_slice %arg3[%mul3A_2] : memref<1024xi32, #tpu.memory_space<hbm>> -> memref<32xi32, #tpu.memory_space<hbm>>
      tpu.enqueue_dma source(%dma_start3A_22 : memref<32xi32, #tpu.memory_space<hbm>>) target(%arg5 : memref<32xi32, #tpu.memory_space<vmem>>) target_semaphore(%run_scoped3A : memref<!tpu.dma_semaphore, #tpu.memory_space<semaphore_mem>>)
      %dma_wait3A_23 = tpu.memref_slice %arg3[%mul3A_2] : memref<1024xi32, #tpu.memory_space<hbm>> -> memref<32xi32, #tpu.memory_space<hbm>>
      %dma_wait3A_24 = tpu.memref_slice %arg3[%mul3A_2] : memref<1024xi32, #tpu.memory_space<hbm>> -> memref<32xi32, #tpu.memory_space<hbm>>
      tpu.wait_dma2 semaphore(%run_scoped3A : memref<!tpu.dma_semaphore, #tpu.memory_space<semaphore_mem>>) src(%dma_wait3A_24 : memref<32xi32, #tpu.memory_space<hbm>>) dst(%arg5 : memref<32xi32, #tpu.memory_space<vmem>>)
      tpu.yield
    }) : () -> ()
    %dma_start3A = arith.constant 0 : i32
    %dma_start3A_3 = tpu.memref_slice %arg5[%dma_start3A] : memref<32xi32, #tpu.memory_space<vmem>> -> memref<32xi32, #tpu.memory_space<vmem>>
    %dma_start3A_4 = arith.constant 0 : i32
    %dma_start3A_5 = arith.constant 0 : i32
    %dma_start3A_6 = tpu.memref_slice %arg2[%dma_start3A_4, %dma_start3A_5] : memref<128x512xf32, #tpu.memory_space<hbm>> -> memref<128x512xf32, #tpu.memory_space<hbm>>
    tpu.enqueue_indirect_dma source(%dma_start3A_6 : memref<128x512xf32, #tpu.memory_space<hbm>>) target(%arg6 : memref<32x512xf32, #tpu.memory_space<vmem>>) offsets(%dma_start3A_3 : memref<32xi32, #tpu.memory_space<vmem>>) semaphore(%arg8 : memref<!tpu.dma_semaphore, #tpu.memory_space<semaphore_mem>>)
    %dma_wait3A = arith.constant 0 : i32
    %dma_wait3A_7 = tpu.memref_slice %arg5[%dma_wait3A] : memref<32xi32, #tpu.memory_space<vmem>> -> memref<32xi32, #tpu.memory_space<vmem>>
    %dma_wait3A_8 = arith.constant 0 : i32
    %dma_wait3A_9 = arith.constant 0 : i32
    %dma_wait3A_10 = tpu.memref_slice %arg2[%dma_wait3A_8, %dma_wait3A_9] : memref<128x512xf32, #tpu.memory_space<hbm>> -> memref<128x512xf32, #tpu.memory_space<hbm>>
    tpu.wait_indirect_dma semaphore(%arg8 : memref<!tpu.dma_semaphore, #tpu.memory_space<semaphore_mem>>) src(%dma_wait3A_10 : memref<128x512xf32, #tpu.memory_space<hbm>>) dst(%arg6 : memref<32x512xf32, #tpu.memory_space<vmem>>)
    %add3A_11 = arith.constant 0 : i32
    %add3A_12 = arith.addi %mul3A_2, %add3A_11 : i32
    %dma_start3A_13 = arith.constant 0 : i32
    %dma_start3A_14 = tpu.memref_slice %arg4[%add3A_12, %dma_start3A_13] : memref<1024x512xf32, #tpu.memory_space<hbm>> -> memref<32x512xf32, #tpu.memory_space<hbm>>
    %dma_start3A_15 = arith.constant 0 : i32
    %dma_start3A_16 = tpu.memref_slice %arg4[%add3A_12, %dma_start3A_15] : memref<1024x512xf32, #tpu.memory_space<hbm>> -> memref<32x512xf32, #tpu.memory_space<hbm>>
    tpu.enqueue_dma source(%arg6 : memref<32x512xf32, #tpu.memory_space<vmem>>) target(%dma_start3A_16 : memref<32x512xf32, #tpu.memory_space<hbm>>) target_semaphore(%arg10 : memref<!tpu.dma_semaphore, #tpu.memory_space<semaphore_mem>>)
    %dma_wait3A_17 = arith.constant 0 : i32
    %dma_wait3A_18 = tpu.memref_slice %arg4[%add3A_12, %dma_wait3A_17] : memref<1024x512xf32, #tpu.memory_space<hbm>> -> memref<32x512xf32, #tpu.memory_space<hbm>>
    %dma_wait3A_19 = arith.constant 0 : i32
    %dma_wait3A_20 = tpu.memref_slice %arg4[%add3A_12, %dma_wait3A_19] : memref<1024x512xf32, #tpu.memory_space<hbm>> -> memref<32x512xf32, #tpu.memory_space<hbm>>
    tpu.wait_dma2 semaphore(%arg10 : memref<!tpu.dma_semaphore, #tpu.memory_space<semaphore_mem>>) src(%arg6 : memref<32x512xf32, #tpu.memory_space<vmem>>) dst(%dma_wait3A_20 : memref<32x512xf32, #tpu.memory_space<hbm>>)
    return
  }
}

module attributes {stable_mosaic.version = 14 : i64} {
  func.func @_combine_body(%arg0: i32, %arg1: memref<1024x512xf32, #tpu.memory_space<vmem>>, %arg2: memref<16384x512xf32, #tpu.memory_space<any>>, %arg3: memref<1024x512xf32, #tpu.memory_space<vmem>>) attributes {dimension_semantics = [#tpu.dimension_semantics<arbitrary>], iteration_bounds = array<i64: 1>, scalar_prefetch = 0 : i64, scratch_operands = 0 : i64, tpu.core_type = #tpu.core_type<tc>, window_params = [{pipeline_mode = #tpu.pipeline_mode<synchronous>, transform_indices = @transform_0, window_bounds = array<i64: 1024, 512>}, {}, {transform_indices = @transform_2, window_bounds = array<i64: 1024, 512>}]} {
    %get3A = arith.constant 0 : index
    %get3A_0 = arith.constant 0 : index
    %get3A_1 = vector.load %arg1[%get3A, %get3A_0] : memref<1024x512xf32, #tpu.memory_space<vmem>>, vector<1024x512xf32>
    %swap3A = arith.constant 0 : index
    %swap3A_2 = arith.constant 0 : index
    %swap3A_3 = vector.load %arg3[%swap3A, %swap3A_2] : memref<1024x512xf32, #tpu.memory_space<vmem>>, vector<1024x512xf32>
    tpu.vector_store %arg3[%swap3A, %swap3A_2], %get3A_1 {strides = array<i32>} : memref<1024x512xf32, #tpu.memory_space<vmem>>, vector<1024x512xf32>,
    return
  }
  func.func @transform_0(%arg0: i32) -> (i32, i32) {
    %c0_i32 = arith.constant 0 : i32
    %c0_i32_0 = arith.constant 0 : i32
    %c0_i32_1 = arith.constant 0 : i32
    return %c0_i32, %c0_i32_0 : i32, i32
  }
  func.func @transform_2(%arg0: i32) -> (i32, i32) {
    %c15_i32 = arith.constant 15 : i32
    %c0_i32 = arith.constant 0 : i32
    %c0_i32_0 = arith.constant 0 : i32
    return %c15_i32, %c0_i32 : i32, i32
  }
}

module attributes {stable_mosaic.version = 14 : i64} {
  func.func @_expand_body(%arg0: i32, %arg1: memref<24x128xi32, #tpu.memory_space<vmem>>, %arg2: memref<24x128xi32, #tpu.memory_space<vmem>>, %arg3: memref<25x256xf32, #tpu.memory_space<vmem>>, %arg4: memref<4x64xf32, #tpu.memory_space<vmem>>, %arg5: memref<320x512xf32, #tpu.memory_space<vmem>>, %arg6: memref<1x512xf32, #tpu.memory_space<vmem>>, %arg7: memref<512x512xf32, #tpu.memory_space<vmem>>, %arg8: memref<1x512xf32, #tpu.memory_space<vmem>>, %arg9: memref<3072x512xf32, #tpu.memory_space<vmem>>, %arg10: memref<128x512xf32, #tpu.memory_space<vmem>>) attributes {dimension_semantics = [#tpu.dimension_semantics<arbitrary>], iteration_bounds = array<i64: 5>, scalar_prefetch = 0 : i64, scratch_operands = 1 : i64, tpu.core_type = #tpu.core_type<tc>, window_params = [{transform_indices = @transform_0, window_bounds = array<i64: 24, 128>}, {transform_indices = @transform_1, window_bounds = array<i64: 24, 128>}, {pipeline_mode = #tpu.pipeline_mode<synchronous>, transform_indices = @transform_2, window_bounds = array<i64: 25, 256>}, {pipeline_mode = #tpu.pipeline_mode<synchronous>, transform_indices = @transform_3, window_bounds = array<i64: 4, 64>}, {pipeline_mode = #tpu.pipeline_mode<synchronous>, transform_indices = @transform_4, window_bounds = array<i64: 320, 512>}, {pipeline_mode = #tpu.pipeline_mode<synchronous>, transform_indices = @transform_5, window_bounds = array<i64: 1, 512>}, {pipeline_mode = #tpu.pipeline_mode<synchronous>, transform_indices = @transform_6, window_bounds = array<i64: 512, 512>}, {pipeline_mode = #tpu.pipeline_mode<synchronous>, transform_indices = @transform_7, window_bounds = array<i64: 1, 512>}, {transform_indices = @transform_8, window_bounds = array<i64: 3072, 512>}]} {
    %eq3A = arith.constant 0 : i32
    %eq3A_0 = arith.cmpi eq, %arg0, %eq3A : i32
    %convert_element_type3A = arith.extui %eq3A_0 : i1 to i32
    %cond3A = arith.constant 0 : i32
    %cond3A_1 = arith.cmpi ne, %convert_element_type3A, %cond3A : i32
    scf.if %cond3A_1 {
      %get3A_258 = arith.constant 0 : index
      %get3A_259 = arith.constant 0 : index
      %get3A_260 = vector.load %arg3[%get3A_258, %get3A_259] : memref<25x256xf32, #tpu.memory_space<vmem>>, vector<25x256xf32>
      %get3A_261 = arith.constant 0 : index
      %get3A_262 = arith.constant 0 : index
      %get3A_263 = vector.load %arg5[%get3A_261, %get3A_262] : memref<320x512xf32, #tpu.memory_space<vmem>>, vector<256x512xf32>
      %dot_general3A_264 = arith.constant dense<0.000000e+00> : vector<25x512xf32>
      %dot_general3A_265 = tpu.matmul %get3A_260, %get3A_263, %dot_general3A_264 {dimension_numbers = #tpu.dot_dimension_numbers<[1], [0], [0], [1], [0, 0, 1, 1], [], []>, transpose_lhs_hint = false} : vector<25x256xf32>, vector<256x512xf32>, vector<25x512xf32> -> vector<25x512xf32>
      %get3A_266 = arith.constant 0 : index
      %get3A_267 = arith.constant 0 : index
      %get3A_268 = vector.load %arg4[%get3A_266, %get3A_267] : memref<4x64xf32, #tpu.memory_space<vmem>>, vector<4x64xf32>
      %get3A_269 = arith.constant 256 : index
      %get3A_270 = arith.constant 0 : index
      %get3A_271 = vector.load %arg5[%get3A_269, %get3A_270] : memref<320x512xf32, #tpu.memory_space<vmem>>, vector<64x512xf32>
      %dot_general3A_272 = arith.constant dense<0.000000e+00> : vector<4x512xf32>
      %dot_general3A_273 = tpu.matmul %get3A_268, %get3A_271, %dot_general3A_272 {dimension_numbers = #tpu.dot_dimension_numbers<[1], [0], [0], [1], [0, 0, 1, 1], [], []>, transpose_lhs_hint = false} : vector<4x64xf32>, vector<64x512xf32>, vector<4x512xf32> -> vector<4x512xf32>
      %iota3A_274 = tpu.iota {dimensions = array<i32: 0>} : vector<128x25xi32>
      %iota3A_275 = tpu.iota {dimensions = array<i32: 1>} : vector<128x25xi32>
      %jit3A_276 = arith.constant 4 : i32
      %div3A = vector.broadcast %jit3A_276 : i32 to vector<128x25xi32>
      %div3A_277 = arith.divsi %iota3A_274, %div3A : vector<128x25xi32>
      %sign3A = arith.constant 0 : i32
      %sign3A_278 = vector.broadcast %sign3A : i32 to vector<128x25xi32>
      %sign3A_279 = arith.cmpi sgt, %iota3A_274, %sign3A_278 : vector<128x25xi32>
      %sign3A_280 = arith.extui %sign3A_279 : vector<128x25xi1> to vector<128x25xi32>
      %sign3A_281 = arith.constant 0 : i32
      %sign3A_282 = vector.broadcast %sign3A_281 : i32 to vector<128x25xi32>
      %sign3A_283 = arith.cmpi slt, %iota3A_274, %sign3A_282 : vector<128x25xi32>
      %sign3A_284 = arith.extui %sign3A_283 : vector<128x25xi1> to vector<128x25xi32>
      %sign3A_285 = arith.subi %sign3A_280, %sign3A_284 : vector<128x25xi32>
      %sign3A_286 = arith.constant 0 : i32
      %sign3A_287 = arith.cmpi sgt, %jit3A_276, %sign3A_286 : i32
      %sign3A_288 = arith.extui %sign3A_287 : i1 to i32
      %sign3A_289 = arith.constant 0 : i32
      %sign3A_290 = arith.cmpi slt, %jit3A_276, %sign3A_289 : i32
      %sign3A_291 = arith.extui %sign3A_290 : i1 to i32
      %sign3A_292 = arith.subi %sign3A_288, %sign3A_291 : i32
      %ne3A = vector.broadcast %sign3A_292 : i32 to vector<128x25xi32>
      %ne3A_293 = arith.cmpi ne, %sign3A_285, %ne3A : vector<128x25xi32>
      %rem3A = vector.broadcast %jit3A_276 : i32 to vector<128x25xi32>
      %rem3A_294 = arith.remsi %iota3A_274, %rem3A : vector<128x25xi32>
      %ne3A_295 = arith.constant 0 : i32
      %ne3A_296 = vector.broadcast %ne3A_295 : i32 to vector<128x25xi32>
      %ne3A_297 = arith.cmpi ne, %rem3A_294, %ne3A_296 : vector<128x25xi32>
      %and3A = arith.andi %ne3A_293, %ne3A_297 : vector<128x25xi1>
      %sub3A = arith.constant 1 : i32
      %sub3A_298 = vector.broadcast %sub3A : i32 to vector<128x25xi32>
      %sub3A_299 = arith.subi %div3A_277, %sub3A_298 : vector<128x25xi32>
      %select_n3A = arith.select %and3A, %sub3A_299, %div3A_277 : vector<128x25xi1>, vector<128x25xi32>
      %eq3A_300 = arith.cmpi eq, %select_n3A, %iota3A_275 : vector<128x25xi32>
      %convert_element_type3A_301 = arith.extui %eq3A_300 : vector<128x25xi1> to vector<128x25xi32>
      %convert_element_type3A_302 = arith.sitofp %convert_element_type3A_301 : vector<128x25xi32> to vector<128x25xf32>
      %iota3A_303 = tpu.iota {dimensions = array<i32: 0>} : vector<128x4xi32>
      %iota3A_304 = tpu.iota {dimensions = array<i32: 1>} : vector<128x4xi32>
      %jit3A_305 = arith.constant 4 : i32
      %eq3A_306 = arith.constant 0 : i32
      %eq3A_307 = arith.cmpi eq, %jit3A_305, %eq3A_306 : i32
      %jit3A_308 = arith.constant 1 : i32
      %select_n3A_309 = arith.select %eq3A_307, %jit3A_308, %jit3A_305 : i32
      %rem3A_310 = vector.broadcast %select_n3A_309 : i32 to vector<128x4xi32>
      %rem3A_311 = arith.remsi %iota3A_303, %rem3A_310 : vector<128x4xi32>
      %ne3A_312 = arith.constant 0 : i32
      %ne3A_313 = vector.broadcast %ne3A_312 : i32 to vector<128x4xi32>
      %ne3A_314 = arith.cmpi ne, %rem3A_311, %ne3A_313 : vector<128x4xi32>
      %lt3A = arith.constant 0 : i32
      %lt3A_315 = vector.broadcast %lt3A : i32 to vector<128x4xi32>
      %lt3A_316 = arith.cmpi slt, %rem3A_311, %lt3A_315 : vector<128x4xi32>
      %lt3A_317 = arith.constant 0 : i32
      %lt3A_318 = arith.cmpi slt, %select_n3A_309, %lt3A_317 : i32
      %ne3A_319 = vector.broadcast %lt3A_318 : i1 to vector<128x4xi1>
      %ne3A_320 = vector.broadcast %ne3A_319 : vector<128x4xi1> to vector<128x4xi1>
      %ne3A_321 = arith.xori %lt3A_316, %ne3A_320 : vector<128x4xi1>
      %and3A_322 = arith.andi %ne3A_321, %ne3A_314 : vector<128x4xi1>
      %add3A_323 = vector.broadcast %select_n3A_309 : i32 to vector<128x4xi32>
      %add3A_324 = arith.addi %rem3A_311, %add3A_323 : vector<128x4xi32>
      %select_n3A_325 = arith.select %and3A_322, %add3A_324, %rem3A_311 : vector<128x4xi1>, vector<128x4xi32>
      %eq3A_326 = arith.cmpi eq, %select_n3A_325, %iota3A_304 : vector<128x4xi32>
      %lt3A_327 = arith.constant 100 : i32
      %lt3A_328 = vector.broadcast %lt3A_327 : i32 to vector<128x4xi32>
      %lt3A_329 = arith.cmpi slt, %iota3A_303, %lt3A_328 : vector<128x4xi32>
      %and3A_330 = arith.andi %eq3A_326, %lt3A_329 : vector<128x4xi1>
      %convert_element_type3A_331 = arith.extui %and3A_330 : vector<128x4xi1> to vector<128x4xi32>
      %convert_element_type3A_332 = arith.sitofp %convert_element_type3A_331 : vector<128x4xi32> to vector<128x4xf32>
      %dot_general3A_333 = arith.constant dense<0.000000e+00> : vector<128x512xf32>
      %dot_general3A_334 = tpu.matmul %convert_element_type3A_302, %dot_general3A_265, %dot_general3A_333 {dimension_numbers = #tpu.dot_dimension_numbers<[1], [0], [0], [1], [0, 0, 1, 1], [], []>, transpose_lhs_hint = false} : vector<128x25xf32>, vector<25x512xf32>, vector<128x512xf32> -> vector<128x512xf32>
      %dot_general3A_335 = arith.constant dense<0.000000e+00> : vector<128x512xf32>
      %dot_general3A_336 = tpu.matmul %convert_element_type3A_332, %dot_general3A_273, %dot_general3A_335 {dimension_numbers = #tpu.dot_dimension_numbers<[1], [0], [0], [1], [0, 0, 1, 1], [], []>, transpose_lhs_hint = false} : vector<128x4xf32>, vector<4x512xf32>, vector<128x512xf32> -> vector<128x512xf32>
      %add3A_337 = arith.addf %dot_general3A_334, %dot_general3A_336 : vector<128x512xf32>
      %get3A_338 = arith.constant 0 : index
      %get3A_339 = arith.constant 0 : index
      %get3A_340 = vector.load %arg6[%get3A_338, %get3A_339] : memref<1x512xf32, #tpu.memory_space<vmem>>, vector<1x512xf32>
      %add3A_341 = vector.broadcast %get3A_340 : vector<1x512xf32> to vector<128x512xf32>
      %add3A_342 = arith.addf %add3A_337, %add3A_341 : vector<128x512xf32>
      %mul3A_343 = arith.constant 5.000000e-01 : f32
      %mul3A_344 = vector.broadcast %mul3A_343 : f32 to vector<128x512xf32>
      %mul3A_345 = arith.mulf %mul3A_344, %add3A_342 : vector<128x512xf32>
      %mul3A_346 = arith.constant 0.707106769 : f32
      %mul3A_347 = vector.broadcast %mul3A_346 : f32 to vector<128x512xf32>
      %mul3A_348 = arith.mulf %add3A_342, %mul3A_347 : vector<128x512xf32>
      %erf3A = math.erf %mul3A_348 : vector<128x512xf32>
      %add3A_349 = arith.constant 1.000000e+00 : f32
      %add3A_350 = vector.broadcast %add3A_349 : f32 to vector<128x512xf32>
      %add3A_351 = arith.addf %add3A_350, %erf3A : vector<128x512xf32>
      %mul3A_352 = arith.mulf %mul3A_345, %add3A_351 : vector<128x512xf32>
      %get3A_353 = arith.constant 0 : index
      %get3A_354 = arith.constant 0 : index
      %get3A_355 = vector.load %arg7[%get3A_353, %get3A_354] : memref<512x512xf32, #tpu.memory_space<vmem>>, vector<512x512xf32>
      %dot_general3A_356 = arith.constant dense<0.000000e+00> : vector<128x512xf32>
      %dot_general3A_357 = tpu.matmul %mul3A_352, %get3A_355, %dot_general3A_356 {dimension_numbers = #tpu.dot_dimension_numbers<[1], [1], [0], [0], [0, 0, 1, 0], [], []>, transpose_lhs_hint = false} : vector<128x512xf32>, vector<512x512xf32>, vector<128x512xf32> -> vector<128x512xf32>
      %get3A_358 = arith.constant 0 : index
      %get3A_359 = arith.constant 0 : index
      %get3A_360 = vector.load %arg8[%get3A_358, %get3A_359] : memref<1x512xf32, #tpu.memory_space<vmem>>, vector<1x512xf32>
      %add3A_361 = vector.broadcast %get3A_360 : vector<1x512xf32> to vector<128x512xf32>
      %add3A_362 = arith.addf %dot_general3A_357, %add3A_361 : vector<128x512xf32>
      %swap3A_363 = arith.constant 0 : index
      %swap3A_364 = arith.constant 0 : index
      %swap3A_365 = vector.load %arg10[%swap3A_363, %swap3A_364] : memref<128x512xf32, #tpu.memory_space<vmem>>, vector<128x512xf32>
      tpu.vector_store %arg10[%swap3A_363, %swap3A_364], %add3A_362 {strides = array<i32>} : memref<128x512xf32, #tpu.memory_space<vmem>>, vector<128x512xf32>,
    } else {
    }
    %get3A = arith.constant 0 : index
    %get3A_2 = arith.constant 0 : index
    %get3A_3 = vector.load %arg1[%get3A, %get3A_2] : memref<24x128xi32, #tpu.memory_space<vmem>>, vector<24x128xi32>
    %get3A_4 = arith.constant 0 : index
    %get3A_5 = arith.constant 0 : index
    %get3A_6 = vector.load %arg2[%get3A_4, %get3A_5] : memref<24x128xi32, #tpu.memory_space<vmem>>, vector<24x128xi32>
    %jit3A = arith.constant 0 : i32
    %jit3A_7 = arith.constant 24 : i32
    %max3A = vector.broadcast %jit3A : i32 to vector<24x128xi32>
    %max3A_8 = arith.maxsi %max3A, %get3A_3 : vector<24x128xi32>
    %min3A = vector.broadcast %jit3A_7 : i32 to vector<24x128xi32>
    %min3A_9 = arith.minsi %min3A, %max3A_8 : vector<24x128xi32>
    %jit3A_10 = arith.constant 0 : i32
    %jit3A_11 = arith.constant 3 : i32
    %max3A_12 = vector.broadcast %jit3A_10 : i32 to vector<24x128xi32>
    %max3A_13 = arith.maxsi %max3A_12, %get3A_6 : vector<24x128xi32>
    %min3A_14 = vector.broadcast %jit3A_11 : i32 to vector<24x128xi32>
    %min3A_15 = arith.minsi %min3A_14, %max3A_13 : vector<24x128xi32>
    %mul3A = arith.constant 4 : i32
    %mul3A_16 = vector.broadcast %mul3A : i32 to vector<24x128xi32>
    %mul3A_17 = arith.muli %min3A_9, %mul3A_16 : vector<24x128xi32>
    %add3A = arith.addi %mul3A_17, %min3A_15 : vector<24x128xi32>
    %get3A_18 = arith.constant 0 : index
    %get3A_19 = arith.constant 0 : index
    %get3A_20 = vector.load %arg10[%get3A_18, %get3A_19] : memref<128x512xf32, #tpu.memory_space<vmem>>, vector<128x512xf32>
    %iota3A = tpu.iota {dimensions = array<i32: 0>} : vector<128x128xi32>
    %slice3A = vector.extract_strided_slice %add3A {offsets = [0, 0], sizes = [1, 128], strides = [1, 1]} : vector<24x128xi32> to vector<1x128xi32>
    %eq3A_21 = vector.broadcast %slice3A : vector<1x128xi32> to vector<128x128xi32>
    %eq3A_22 = arith.cmpi eq, %iota3A, %eq3A_21 : vector<128x128xi32>
    %convert_element_type3A_23 = arith.extui %eq3A_22 : vector<128x128xi1> to vector<128x128xi32>
    %convert_element_type3A_24 = arith.sitofp %convert_element_type3A_23 : vector<128x128xi32> to vector<128x128xf32>
    %dot_general3A = arith.constant dense<0.000000e+00> : vector<128x512xf32>
    %dot_general3A_25 = tpu.matmul %convert_element_type3A_24, %get3A_20, %dot_general3A {dimension_numbers = #tpu.dot_dimension_numbers<[0], [0], [1], [1], [0, 1, 1, 1], [], []>, transpose_lhs_hint = false} : vector<128x128xf32>, vector<128x512xf32>, vector<128x512xf32> -> vector<128x512xf32>
    %swap3A = arith.constant 0 : index
    %swap3A_26 = arith.constant 0 : index
    %swap3A_27 = vector.load %arg9[%swap3A, %swap3A_26] : memref<3072x512xf32, #tpu.memory_space<vmem>>, vector<128x512xf32>
    tpu.vector_store %arg9[%swap3A, %swap3A_26], %dot_general3A_25 {strides = array<i32>} : memref<3072x512xf32, #tpu.memory_space<vmem>>, vector<128x512xf32>,
    %slice3A_28 = vector.extract_strided_slice %add3A {offsets = [1, 0], sizes = [1, 128], strides = [1, 1]} : vector<24x128xi32> to vector<1x128xi32>
    %eq3A_29 = vector.broadcast %slice3A_28 : vector<1x128xi32> to vector<128x128xi32>
    %eq3A_30 = arith.cmpi eq, %iota3A, %eq3A_29 : vector<128x128xi32>
    %convert_element_type3A_31 = arith.extui %eq3A_30 : vector<128x128xi1> to vector<128x128xi32>
    %convert_element_type3A_32 = arith.sitofp %convert_element_type3A_31 : vector<128x128xi32> to vector<128x128xf32>
    %dot_general3A_33 = arith.constant dense<0.000000e+00> : vector<128x512xf32>
    %dot_general3A_34 = tpu.matmul %convert_element_type3A_32, %get3A_20, %dot_general3A_33 {dimension_numbers = #tpu.dot_dimension_numbers<[0], [0], [1], [1], [0, 1, 1, 1], [], []>, transpose_lhs_hint = false} : vector<128x128xf32>, vector<128x512xf32>, vector<128x512xf32> -> vector<128x512xf32>
    %swap3A_35 = arith.constant 128 : index
    %swap3A_36 = arith.constant 0 : index
    %swap3A_37 = vector.load %arg9[%swap3A_35, %swap3A_36] : memref<3072x512xf32, #tpu.memory_space<vmem>>, vector<128x512xf32>
    tpu.vector_store %arg9[%swap3A_35, %swap3A_36], %dot_general3A_34 {strides = array<i32>} : memref<3072x512xf32, #tpu.memory_space<vmem>>, vector<128x512xf32>,
    %slice3A_38 = vector.extract_strided_slice %add3A {offsets = [2, 0], sizes = [1, 128], strides = [1, 1]} : vector<24x128xi32> to vector<1x128xi32>
    %eq3A_39 = vector.broadcast %slice3A_38 : vector<1x128xi32> to vector<128x128xi32>
    %eq3A_40 = arith.cmpi eq, %iota3A, %eq3A_39 : vector<128x128xi32>
    %convert_element_type3A_41 = arith.extui %eq3A_40 : vector<128x128xi1> to vector<128x128xi32>
    %convert_element_type3A_42 = arith.sitofp %convert_element_type3A_41 : vector<128x128xi32> to vector<128x128xf32>
    %dot_general3A_43 = arith.constant dense<0.000000e+00> : vector<128x512xf32>
    %dot_general3A_44 = tpu.matmul %convert_element_type3A_42, %get3A_20, %dot_general3A_43 {dimension_numbers = #tpu.dot_dimension_numbers<[0], [0], [1], [1], [0, 1, 1, 1], [], []>, transpose_lhs_hint = false} : vector<128x128xf32>, vector<128x512xf32>, vector<128x512xf32> -> vector<128x512xf32>
    %swap3A_45 = arith.constant 256 : index
    %swap3A_46 = arith.constant 0 : index
    %swap3A_47 = vector.load %arg9[%swap3A_45, %swap3A_46] : memref<3072x512xf32, #tpu.memory_space<vmem>>, vector<128x512xf32>
    tpu.vector_store %arg9[%swap3A_45, %swap3A_46], %dot_general3A_44 {strides = array<i32>} : memref<3072x512xf32, #tpu.memory_space<vmem>>, vector<128x512xf32>,
    %slice3A_48 = vector.extract_strided_slice %add3A {offsets = [3, 0], sizes = [1, 128], strides = [1, 1]} : vector<24x128xi32> to vector<1x128xi32>
    %eq3A_49 = vector.broadcast %slice3A_48 : vector<1x128xi32> to vector<128x128xi32>
    %eq3A_50 = arith.cmpi eq, %iota3A, %eq3A_49 : vector<128x128xi32>
    %convert_element_type3A_51 = arith.extui %eq3A_50 : vector<128x128xi1> to vector<128x128xi32>
    %convert_element_type3A_52 = arith.sitofp %convert_element_type3A_51 : vector<128x128xi32> to vector<128x128xf32>
    %dot_general3A_53 = arith.constant dense<0.000000e+00> : vector<128x512xf32>
    %dot_general3A_54 = tpu.matmul %convert_element_type3A_52, %get3A_20, %dot_general3A_53 {dimension_numbers = #tpu.dot_dimension_numbers<[0], [0], [1], [1], [0, 1, 1, 1], [], []>, transpose_lhs_hint = false} : vector<128x128xf32>, vector<128x512xf32>, vector<128x512xf32> -> vector<128x512xf32>
    %swap3A_55 = arith.constant 384 : index
    %swap3A_56 = arith.constant 0 : index
    %swap3A_57 = vector.load %arg9[%swap3A_55, %swap3A_56] : memref<3072x512xf32, #tpu.memory_space<vmem>>, vector<128x512xf32>
    tpu.vector_store %arg9[%swap3A_55, %swap3A_56], %dot_general3A_54 {strides = array<i32>} : memref<3072x512xf32, #tpu.memory_space<vmem>>, vector<128x512xf32>,
    %slice3A_58 = vector.extract_strided_slice %add3A {offsets = [4, 0], sizes = [1, 128], strides = [1, 1]} : vector<24x128xi32> to vector<1x128xi32>
    %eq3A_59 = vector.broadcast %slice3A_58 : vector<1x128xi32> to vector<128x128xi32>
    %eq3A_60 = arith.cmpi eq, %iota3A, %eq3A_59 : vector<128x128xi32>
    %convert_element_type3A_61 = arith.extui %eq3A_60 : vector<128x128xi1> to vector<128x128xi32>
    %convert_element_type3A_62 = arith.sitofp %convert_element_type3A_61 : vector<128x128xi32> to vector<128x128xf32>
    %dot_general3A_63 = arith.constant dense<0.000000e+00> : vector<128x512xf32>
    %dot_general3A_64 = tpu.matmul %convert_element_type3A_62, %get3A_20, %dot_general3A_63 {dimension_numbers = #tpu.dot_dimension_numbers<[0], [0], [1], [1], [0, 1, 1, 1], [], []>, transpose_lhs_hint = false} : vector<128x128xf32>, vector<128x512xf32>, vector<128x512xf32> -> vector<128x512xf32>
    %swap3A_65 = arith.constant 512 : index
    %swap3A_66 = arith.constant 0 : index
    %swap3A_67 = vector.load %arg9[%swap3A_65, %swap3A_66] : memref<3072x512xf32, #tpu.memory_space<vmem>>, vector<128x512xf32>
    tpu.vector_store %arg9[%swap3A_65, %swap3A_66], %dot_general3A_64 {strides = array<i32>} : memref<3072x512xf32, #tpu.memory_space<vmem>>, vector<128x512xf32>,
    %slice3A_68 = vector.extract_strided_slice %add3A {offsets = [5, 0], sizes = [1, 128], strides = [1, 1]} : vector<24x128xi32> to vector<1x128xi32>
    %eq3A_69 = vector.broadcast %slice3A_68 : vector<1x128xi32> to vector<128x128xi32>
    %eq3A_70 = arith.cmpi eq, %iota3A, %eq3A_69 : vector<128x128xi32>
    %convert_element_type3A_71 = arith.extui %eq3A_70 : vector<128x128xi1> to vector<128x128xi32>
    %convert_element_type3A_72 = arith.sitofp %convert_element_type3A_71 : vector<128x128xi32> to vector<128x128xf32>
    %dot_general3A_73 = arith.constant dense<0.000000e+00> : vector<128x512xf32>
    %dot_general3A_74 = tpu.matmul %convert_element_type3A_72, %get3A_20, %dot_general3A_73 {dimension_numbers = #tpu.dot_dimension_numbers<[0], [0], [1], [1], [0, 1, 1, 1], [], []>, transpose_lhs_hint = false} : vector<128x128xf32>, vector<128x512xf32>, vector<128x512xf32> -> vector<128x512xf32>
    %swap3A_75 = arith.constant 640 : index
    %swap3A_76 = arith.constant 0 : index
    %swap3A_77 = vector.load %arg9[%swap3A_75, %swap3A_76] : memref<3072x512xf32, #tpu.memory_space<vmem>>, vector<128x512xf32>
    tpu.vector_store %arg9[%swap3A_75, %swap3A_76], %dot_general3A_74 {strides = array<i32>} : memref<3072x512xf32, #tpu.memory_space<vmem>>, vector<128x512xf32>,
    %slice3A_78 = vector.extract_strided_slice %add3A {offsets = [6, 0], sizes = [1, 128], strides = [1, 1]} : vector<24x128xi32> to vector<1x128xi32>
    %eq3A_79 = vector.broadcast %slice3A_78 : vector<1x128xi32> to vector<128x128xi32>
    %eq3A_80 = arith.cmpi eq, %iota3A, %eq3A_79 : vector<128x128xi32>
    %convert_element_type3A_81 = arith.extui %eq3A_80 : vector<128x128xi1> to vector<128x128xi32>
    %convert_element_type3A_82 = arith.sitofp %convert_element_type3A_81 : vector<128x128xi32> to vector<128x128xf32>
    %dot_general3A_83 = arith.constant dense<0.000000e+00> : vector<128x512xf32>
    %dot_general3A_84 = tpu.matmul %convert_element_type3A_82, %get3A_20, %dot_general3A_83 {dimension_numbers = #tpu.dot_dimension_numbers<[0], [0], [1], [1], [0, 1, 1, 1], [], []>, transpose_lhs_hint = false} : vector<128x128xf32>, vector<128x512xf32>, vector<128x512xf32> -> vector<128x512xf32>
    %swap3A_85 = arith.constant 768 : index
    %swap3A_86 = arith.constant 0 : index
    %swap3A_87 = vector.load %arg9[%swap3A_85, %swap3A_86] : memref<3072x512xf32, #tpu.memory_space<vmem>>, vector<128x512xf32>
    tpu.vector_store %arg9[%swap3A_85, %swap3A_86], %dot_general3A_84 {strides = array<i32>} : memref<3072x512xf32, #tpu.memory_space<vmem>>, vector<128x512xf32>,
    %slice3A_88 = vector.extract_strided_slice %add3A {offsets = [7, 0], sizes = [1, 128], strides = [1, 1]} : vector<24x128xi32> to vector<1x128xi32>
    %eq3A_89 = vector.broadcast %slice3A_88 : vector<1x128xi32> to vector<128x128xi32>
    %eq3A_90 = arith.cmpi eq, %iota3A, %eq3A_89 : vector<128x128xi32>
    %convert_element_type3A_91 = arith.extui %eq3A_90 : vector<128x128xi1> to vector<128x128xi32>
    %convert_element_type3A_92 = arith.sitofp %convert_element_type3A_91 : vector<128x128xi32> to vector<128x128xf32>
    %dot_general3A_93 = arith.constant dense<0.000000e+00> : vector<128x512xf32>
    %dot_general3A_94 = tpu.matmul %convert_element_type3A_92, %get3A_20, %dot_general3A_93 {dimension_numbers = #tpu.dot_dimension_numbers<[0], [0], [1], [1], [0, 1, 1, 1], [], []>, transpose_lhs_hint = false} : vector<128x128xf32>, vector<128x512xf32>, vector<128x512xf32> -> vector<128x512xf32>
    %swap3A_95 = arith.constant 896 : index
    %swap3A_96 = arith.constant 0 : index
    %swap3A_97 = vector.load %arg9[%swap3A_95, %swap3A_96] : memref<3072x512xf32, #tpu.memory_space<vmem>>, vector<128x512xf32>
    tpu.vector_store %arg9[%swap3A_95, %swap3A_96], %dot_general3A_94 {strides = array<i32>} : memref<3072x512xf32, #tpu.memory_space<vmem>>, vector<128x512xf32>,
    %slice3A_98 = vector.extract_strided_slice %add3A {offsets = [8, 0], sizes = [1, 128], strides = [1, 1]} : vector<24x128xi32> to vector<1x128xi32>
    %eq3A_99 = vector.broadcast %slice3A_98 : vector<1x128xi32> to vector<128x128xi32>
    %eq3A_100 = arith.cmpi eq, %iota3A, %eq3A_99 : vector<128x128xi32>
    %convert_element_type3A_101 = arith.extui %eq3A_100 : vector<128x128xi1> to vector<128x128xi32>
    %convert_element_type3A_102 = arith.sitofp %convert_element_type3A_101 : vector<128x128xi32> to vector<128x128xf32>
    %dot_general3A_103 = arith.constant dense<0.000000e+00> : vector<128x512xf32>
    %dot_general3A_104 = tpu.matmul %convert_element_type3A_102, %get3A_20, %dot_general3A_103 {dimension_numbers = #tpu.dot_dimension_numbers<[0], [0], [1], [1], [0, 1, 1, 1], [], []>, transpose_lhs_hint = false} : vector<128x128xf32>, vector<128x512xf32>, vector<128x512xf32> -> vector<128x512xf32>
    %swap3A_105 = arith.constant 1024 : index
    %swap3A_106 = arith.constant 0 : index
    %swap3A_107 = vector.load %arg9[%swap3A_105, %swap3A_106] : memref<3072x512xf32, #tpu.memory_space<vmem>>, vector<128x512xf32>
    tpu.vector_store %arg9[%swap3A_105, %swap3A_106], %dot_general3A_104 {strides = array<i32>} : memref<3072x512xf32, #tpu.memory_space<vmem>>, vector<128x512xf32>,
    %slice3A_108 = vector.extract_strided_slice %add3A {offsets = [9, 0], sizes = [1, 128], strides = [1, 1]} : vector<24x128xi32> to vector<1x128xi32>
    %eq3A_109 = vector.broadcast %slice3A_108 : vector<1x128xi32> to vector<128x128xi32>
    %eq3A_110 = arith.cmpi eq, %iota3A, %eq3A_109 : vector<128x128xi32>
    %convert_element_type3A_111 = arith.extui %eq3A_110 : vector<128x128xi1> to vector<128x128xi32>
    %convert_element_type3A_112 = arith.sitofp %convert_element_type3A_111 : vector<128x128xi32> to vector<128x128xf32>
    %dot_general3A_113 = arith.constant dense<0.000000e+00> : vector<128x512xf32>
    %dot_general3A_114 = tpu.matmul %convert_element_type3A_112, %get3A_20, %dot_general3A_113 {dimension_numbers = #tpu.dot_dimension_numbers<[0], [0], [1], [1], [0, 1, 1, 1], [], []>, transpose_lhs_hint = false} : vector<128x128xf32>, vector<128x512xf32>, vector<128x512xf32> -> vector<128x512xf32>
    %swap3A_115 = arith.constant 1152 : index
    %swap3A_116 = arith.constant 0 : index
    %swap3A_117 = vector.load %arg9[%swap3A_115, %swap3A_116] : memref<3072x512xf32, #tpu.memory_space<vmem>>, vector<128x512xf32>
    tpu.vector_store %arg9[%swap3A_115, %swap3A_116], %dot_general3A_114 {strides = array<i32>} : memref<3072x512xf32, #tpu.memory_space<vmem>>, vector<128x512xf32>,
    %slice3A_118 = vector.extract_strided_slice %add3A {offsets = [10, 0], sizes = [1, 128], strides = [1, 1]} : vector<24x128xi32> to vector<1x128xi32>
    %eq3A_119 = vector.broadcast %slice3A_118 : vector<1x128xi32> to vector<128x128xi32>
    %eq3A_120 = arith.cmpi eq, %iota3A, %eq3A_119 : vector<128x128xi32>
    %convert_element_type3A_121 = arith.extui %eq3A_120 : vector<128x128xi1> to vector<128x128xi32>
    %convert_element_type3A_122 = arith.sitofp %convert_element_type3A_121 : vector<128x128xi32> to vector<128x128xf32>
    %dot_general3A_123 = arith.constant dense<0.000000e+00> : vector<128x512xf32>
    %dot_general3A_124 = tpu.matmul %convert_element_type3A_122, %get3A_20, %dot_general3A_123 {dimension_numbers = #tpu.dot_dimension_numbers<[0], [0], [1], [1], [0, 1, 1, 1], [], []>, transpose_lhs_hint = false} : vector<128x128xf32>, vector<128x512xf32>, vector<128x512xf32> -> vector<128x512xf32>
    %swap3A_125 = arith.constant 1280 : index
    %swap3A_126 = arith.constant 0 : index
    %swap3A_127 = vector.load %arg9[%swap3A_125, %swap3A_126] : memref<3072x512xf32, #tpu.memory_space<vmem>>, vector<128x512xf32>
    tpu.vector_store %arg9[%swap3A_125, %swap3A_126], %dot_general3A_124 {strides = array<i32>} : memref<3072x512xf32, #tpu.memory_space<vmem>>, vector<128x512xf32>,
    %slice3A_128 = vector.extract_strided_slice %add3A {offsets = [11, 0], sizes = [1, 128], strides = [1, 1]} : vector<24x128xi32> to vector<1x128xi32>
    %eq3A_129 = vector.broadcast %slice3A_128 : vector<1x128xi32> to vector<128x128xi32>
    %eq3A_130 = arith.cmpi eq, %iota3A, %eq3A_129 : vector<128x128xi32>
    %convert_element_type3A_131 = arith.extui %eq3A_130 : vector<128x128xi1> to vector<128x128xi32>
    %convert_element_type3A_132 = arith.sitofp %convert_element_type3A_131 : vector<128x128xi32> to vector<128x128xf32>
    %dot_general3A_133 = arith.constant dense<0.000000e+00> : vector<128x512xf32>
    %dot_general3A_134 = tpu.matmul %convert_element_type3A_132, %get3A_20, %dot_general3A_133 {dimension_numbers = #tpu.dot_dimension_numbers<[0], [0], [1], [1], [0, 1, 1, 1], [], []>, transpose_lhs_hint = false} : vector<128x128xf32>, vector<128x512xf32>, vector<128x512xf32> -> vector<128x512xf32>
    %swap3A_135 = arith.constant 1408 : index
    %swap3A_136 = arith.constant 0 : index
    %swap3A_137 = vector.load %arg9[%swap3A_135, %swap3A_136] : memref<3072x512xf32, #tpu.memory_space<vmem>>, vector<128x512xf32>
    tpu.vector_store %arg9[%swap3A_135, %swap3A_136], %dot_general3A_134 {strides = array<i32>} : memref<3072x512xf32, #tpu.memory_space<vmem>>, vector<128x512xf32>,
    %slice3A_138 = vector.extract_strided_slice %add3A {offsets = [12, 0], sizes = [1, 128], strides = [1, 1]} : vector<24x128xi32> to vector<1x128xi32>
    %eq3A_139 = vector.broadcast %slice3A_138 : vector<1x128xi32> to vector<128x128xi32>
    %eq3A_140 = arith.cmpi eq, %iota3A, %eq3A_139 : vector<128x128xi32>
    %convert_element_type3A_141 = arith.extui %eq3A_140 : vector<128x128xi1> to vector<128x128xi32>
    %convert_element_type3A_142 = arith.sitofp %convert_element_type3A_141 : vector<128x128xi32> to vector<128x128xf32>
    %dot_general3A_143 = arith.constant dense<0.000000e+00> : vector<128x512xf32>
    %dot_general3A_144 = tpu.matmul %convert_element_type3A_142, %get3A_20, %dot_general3A_143 {dimension_numbers = #tpu.dot_dimension_numbers<[0], [0], [1], [1], [0, 1, 1, 1], [], []>, transpose_lhs_hint = false} : vector<128x128xf32>, vector<128x512xf32>, vector<128x512xf32> -> vector<128x512xf32>
    %swap3A_145 = arith.constant 1536 : index
    %swap3A_146 = arith.constant 0 : index
    %swap3A_147 = vector.load %arg9[%swap3A_145, %swap3A_146] : memref<3072x512xf32, #tpu.memory_space<vmem>>, vector<128x512xf32>
    tpu.vector_store %arg9[%swap3A_145, %swap3A_146], %dot_general3A_144 {strides = array<i32>} : memref<3072x512xf32, #tpu.memory_space<vmem>>, vector<128x512xf32>,
    %slice3A_148 = vector.extract_strided_slice %add3A {offsets = [13, 0], sizes = [1, 128], strides = [1, 1]} : vector<24x128xi32> to vector<1x128xi32>
    %eq3A_149 = vector.broadcast %slice3A_148 : vector<1x128xi32> to vector<128x128xi32>
    %eq3A_150 = arith.cmpi eq, %iota3A, %eq3A_149 : vector<128x128xi32>
    %convert_element_type3A_151 = arith.extui %eq3A_150 : vector<128x128xi1> to vector<128x128xi32>
    %convert_element_type3A_152 = arith.sitofp %convert_element_type3A_151 : vector<128x128xi32> to vector<128x128xf32>
    %dot_general3A_153 = arith.constant dense<0.000000e+00> : vector<128x512xf32>
    %dot_general3A_154 = tpu.matmul %convert_element_type3A_152, %get3A_20, %dot_general3A_153 {dimension_numbers = #tpu.dot_dimension_numbers<[0], [0], [1], [1], [0, 1, 1, 1], [], []>, transpose_lhs_hint = false} : vector<128x128xf32>, vector<128x512xf32>, vector<128x512xf32> -> vector<128x512xf32>
    %swap3A_155 = arith.constant 1664 : index
    %swap3A_156 = arith.constant 0 : index
    %swap3A_157 = vector.load %arg9[%swap3A_155, %swap3A_156] : memref<3072x512xf32, #tpu.memory_space<vmem>>, vector<128x512xf32>
    tpu.vector_store %arg9[%swap3A_155, %swap3A_156], %dot_general3A_154 {strides = array<i32>} : memref<3072x512xf32, #tpu.memory_space<vmem>>, vector<128x512xf32>,
    %slice3A_158 = vector.extract_strided_slice %add3A {offsets = [14, 0], sizes = [1, 128], strides = [1, 1]} : vector<24x128xi32> to vector<1x128xi32>
    %eq3A_159 = vector.broadcast %slice3A_158 : vector<1x128xi32> to vector<128x128xi32>
    %eq3A_160 = arith.cmpi eq, %iota3A, %eq3A_159 : vector<128x128xi32>
    %convert_element_type3A_161 = arith.extui %eq3A_160 : vector<128x128xi1> to vector<128x128xi32>
    %convert_element_type3A_162 = arith.sitofp %convert_element_type3A_161 : vector<128x128xi32> to vector<128x128xf32>
    %dot_general3A_163 = arith.constant dense<0.000000e+00> : vector<128x512xf32>
    %dot_general3A_164 = tpu.matmul %convert_element_type3A_162, %get3A_20, %dot_general3A_163 {dimension_numbers = #tpu.dot_dimension_numbers<[0], [0], [1], [1], [0, 1, 1, 1], [], []>, transpose_lhs_hint = false} : vector<128x128xf32>, vector<128x512xf32>, vector<128x512xf32> -> vector<128x512xf32>
    %swap3A_165 = arith.constant 1792 : index
    %swap3A_166 = arith.constant 0 : index
    %swap3A_167 = vector.load %arg9[%swap3A_165, %swap3A_166] : memref<3072x512xf32, #tpu.memory_space<vmem>>, vector<128x512xf32>
    tpu.vector_store %arg9[%swap3A_165, %swap3A_166], %dot_general3A_164 {strides = array<i32>} : memref<3072x512xf32, #tpu.memory_space<vmem>>, vector<128x512xf32>,
    %slice3A_168 = vector.extract_strided_slice %add3A {offsets = [15, 0], sizes = [1, 128], strides = [1, 1]} : vector<24x128xi32> to vector<1x128xi32>
    %eq3A_169 = vector.broadcast %slice3A_168 : vector<1x128xi32> to vector<128x128xi32>
    %eq3A_170 = arith.cmpi eq, %iota3A, %eq3A_169 : vector<128x128xi32>
    %convert_element_type3A_171 = arith.extui %eq3A_170 : vector<128x128xi1> to vector<128x128xi32>
    %convert_element_type3A_172 = arith.sitofp %convert_element_type3A_171 : vector<128x128xi32> to vector<128x128xf32>
    %dot_general3A_173 = arith.constant dense<0.000000e+00> : vector<128x512xf32>
    %dot_general3A_174 = tpu.matmul %convert_element_type3A_172, %get3A_20, %dot_general3A_173 {dimension_numbers = #tpu.dot_dimension_numbers<[0], [0], [1], [1], [0, 1, 1, 1], [], []>, transpose_lhs_hint = false} : vector<128x128xf32>, vector<128x512xf32>, vector<128x512xf32> -> vector<128x512xf32>
    %swap3A_175 = arith.constant 1920 : index
    %swap3A_176 = arith.constant 0 : index
    %swap3A_177 = vector.load %arg9[%swap3A_175, %swap3A_176] : memref<3072x512xf32, #tpu.memory_space<vmem>>, vector<128x512xf32>
    tpu.vector_store %arg9[%swap3A_175, %swap3A_176], %dot_general3A_174 {strides = array<i32>} : memref<3072x512xf32, #tpu.memory_space<vmem>>, vector<128x512xf32>,
    %slice3A_178 = vector.extract_strided_slice %add3A {offsets = [16, 0], sizes = [1, 128], strides = [1, 1]} : vector<24x128xi32> to vector<1x128xi32>
    %eq3A_179 = vector.broadcast %slice3A_178 : vector<1x128xi32> to vector<128x128xi32>
    %eq3A_180 = arith.cmpi eq, %iota3A, %eq3A_179 : vector<128x128xi32>
    %convert_element_type3A_181 = arith.extui %eq3A_180 : vector<128x128xi1> to vector<128x128xi32>
    %convert_element_type3A_182 = arith.sitofp %convert_element_type3A_181 : vector<128x128xi32> to vector<128x128xf32>
    %dot_general3A_183 = arith.constant dense<0.000000e+00> : vector<128x512xf32>
    %dot_general3A_184 = tpu.matmul %convert_element_type3A_182, %get3A_20, %dot_general3A_183 {dimension_numbers = #tpu.dot_dimension_numbers<[0], [0], [1], [1], [0, 1, 1, 1], [], []>, transpose_lhs_hint = false} : vector<128x128xf32>, vector<128x512xf32>, vector<128x512xf32> -> vector<128x512xf32>
    %swap3A_185 = arith.constant 2048 : index
    %swap3A_186 = arith.constant 0 : index
    %swap3A_187 = vector.load %arg9[%swap3A_185, %swap3A_186] : memref<3072x512xf32, #tpu.memory_space<vmem>>, vector<128x512xf32>
    tpu.vector_store %arg9[%swap3A_185, %swap3A_186], %dot_general3A_184 {strides = array<i32>} : memref<3072x512xf32, #tpu.memory_space<vmem>>, vector<128x512xf32>,
    %slice3A_188 = vector.extract_strided_slice %add3A {offsets = [17, 0], sizes = [1, 128], strides = [1, 1]} : vector<24x128xi32> to vector<1x128xi32>
    %eq3A_189 = vector.broadcast %slice3A_188 : vector<1x128xi32> to vector<128x128xi32>
    %eq3A_190 = arith.cmpi eq, %iota3A, %eq3A_189 : vector<128x128xi32>
    %convert_element_type3A_191 = arith.extui %eq3A_190 : vector<128x128xi1> to vector<128x128xi32>
    %convert_element_type3A_192 = arith.sitofp %convert_element_type3A_191 : vector<128x128xi32> to vector<128x128xf32>
    %dot_general3A_193 = arith.constant dense<0.000000e+00> : vector<128x512xf32>
    %dot_general3A_194 = tpu.matmul %convert_element_type3A_192, %get3A_20, %dot_general3A_193 {dimension_numbers = #tpu.dot_dimension_numbers<[0], [0], [1], [1], [0, 1, 1, 1], [], []>, transpose_lhs_hint = false} : vector<128x128xf32>, vector<128x512xf32>, vector<128x512xf32> -> vector<128x512xf32>
    %swap3A_195 = arith.constant 2176 : index
    %swap3A_196 = arith.constant 0 : index
    %swap3A_197 = vector.load %arg9[%swap3A_195, %swap3A_196] : memref<3072x512xf32, #tpu.memory_space<vmem>>, vector<128x512xf32>
    tpu.vector_store %arg9[%swap3A_195, %swap3A_196], %dot_general3A_194 {strides = array<i32>} : memref<3072x512xf32, #tpu.memory_space<vmem>>, vector<128x512xf32>,
    %slice3A_198 = vector.extract_strided_slice %add3A {offsets = [18, 0], sizes = [1, 128], strides = [1, 1]} : vector<24x128xi32> to vector<1x128xi32>
    %eq3A_199 = vector.broadcast %slice3A_198 : vector<1x128xi32> to vector<128x128xi32>
    %eq3A_200 = arith.cmpi eq, %iota3A, %eq3A_199 : vector<128x128xi32>
    %convert_element_type3A_201 = arith.extui %eq3A_200 : vector<128x128xi1> to vector<128x128xi32>
    %convert_element_type3A_202 = arith.sitofp %convert_element_type3A_201 : vector<128x128xi32> to vector<128x128xf32>
    %dot_general3A_203 = arith.constant dense<0.000000e+00> : vector<128x512xf32>
    %dot_general3A_204 = tpu.matmul %convert_element_type3A_202, %get3A_20, %dot_general3A_203 {dimension_numbers = #tpu.dot_dimension_numbers<[0], [0], [1], [1], [0, 1, 1, 1], [], []>, transpose_lhs_hint = false} : vector<128x128xf32>, vector<128x512xf32>, vector<128x512xf32> -> vector<128x512xf32>
    %swap3A_205 = arith.constant 2304 : index
    %swap3A_206 = arith.constant 0 : index
    %swap3A_207 = vector.load %arg9[%swap3A_205, %swap3A_206] : memref<3072x512xf32, #tpu.memory_space<vmem>>, vector<128x512xf32>
    tpu.vector_store %arg9[%swap3A_205, %swap3A_206], %dot_general3A_204 {strides = array<i32>} : memref<3072x512xf32, #tpu.memory_space<vmem>>, vector<128x512xf32>,
    %slice3A_208 = vector.extract_strided_slice %add3A {offsets = [19, 0], sizes = [1, 128], strides = [1, 1]} : vector<24x128xi32> to vector<1x128xi32>
    %eq3A_209 = vector.broadcast %slice3A_208 : vector<1x128xi32> to vector<128x128xi32>
    %eq3A_210 = arith.cmpi eq, %iota3A, %eq3A_209 : vector<128x128xi32>
    %convert_element_type3A_211 = arith.extui %eq3A_210 : vector<128x128xi1> to vector<128x128xi32>
    %convert_element_type3A_212 = arith.sitofp %convert_element_type3A_211 : vector<128x128xi32> to vector<128x128xf32>
    %dot_general3A_213 = arith.constant dense<0.000000e+00> : vector<128x512xf32>
    %dot_general3A_214 = tpu.matmul %convert_element_type3A_212, %get3A_20, %dot_general3A_213 {dimension_numbers = #tpu.dot_dimension_numbers<[0], [0], [1], [1], [0, 1, 1, 1], [], []>, transpose_lhs_hint = false} : vector<128x128xf32>, vector<128x512xf32>, vector<128x512xf32> -> vector<128x512xf32>
    %swap3A_215 = arith.constant 2432 : index
    %swap3A_216 = arith.constant 0 : index
    %swap3A_217 = vector.load %arg9[%swap3A_215, %swap3A_216] : memref<3072x512xf32, #tpu.memory_space<vmem>>, vector<128x512xf32>
    tpu.vector_store %arg9[%swap3A_215, %swap3A_216], %dot_general3A_214 {strides = array<i32>} : memref<3072x512xf32, #tpu.memory_space<vmem>>, vector<128x512xf32>,
    %slice3A_218 = vector.extract_strided_slice %add3A {offsets = [20, 0], sizes = [1, 128], strides = [1, 1]} : vector<24x128xi32> to vector<1x128xi32>
    %eq3A_219 = vector.broadcast %slice3A_218 : vector<1x128xi32> to vector<128x128xi32>
    %eq3A_220 = arith.cmpi eq, %iota3A, %eq3A_219 : vector<128x128xi32>
    %convert_element_type3A_221 = arith.extui %eq3A_220 : vector<128x128xi1> to vector<128x128xi32>
    %convert_element_type3A_222 = arith.sitofp %convert_element_type3A_221 : vector<128x128xi32> to vector<128x128xf32>
    %dot_general3A_223 = arith.constant dense<0.000000e+00> : vector<128x512xf32>
    %dot_general3A_224 = tpu.matmul %convert_element_type3A_222, %get3A_20, %dot_general3A_223 {dimension_numbers = #tpu.dot_dimension_numbers<[0], [0], [1], [1], [0, 1, 1, 1], [], []>, transpose_lhs_hint = false} : vector<128x128xf32>, vector<128x512xf32>, vector<128x512xf32> -> vector<128x512xf32>
    %swap3A_225 = arith.constant 2560 : index
    %swap3A_226 = arith.constant 0 : index
    %swap3A_227 = vector.load %arg9[%swap3A_225, %swap3A_226] : memref<3072x512xf32, #tpu.memory_space<vmem>>, vector<128x512xf32>
    tpu.vector_store %arg9[%swap3A_225, %swap3A_226], %dot_general3A_224 {strides = array<i32>} : memref<3072x512xf32, #tpu.memory_space<vmem>>, vector<128x512xf32>,
    %slice3A_228 = vector.extract_strided_slice %add3A {offsets = [21, 0], sizes = [1, 128], strides = [1, 1]} : vector<24x128xi32> to vector<1x128xi32>
    %eq3A_229 = vector.broadcast %slice3A_228 : vector<1x128xi32> to vector<128x128xi32>
    %eq3A_230 = arith.cmpi eq, %iota3A, %eq3A_229 : vector<128x128xi32>
    %convert_element_type3A_231 = arith.extui %eq3A_230 : vector<128x128xi1> to vector<128x128xi32>
    %convert_element_type3A_232 = arith.sitofp %convert_element_type3A_231 : vector<128x128xi32> to vector<128x128xf32>
    %dot_general3A_233 = arith.constant dense<0.000000e+00> : vector<128x512xf32>
    %dot_general3A_234 = tpu.matmul %convert_element_type3A_232, %get3A_20, %dot_general3A_233 {dimension_numbers = #tpu.dot_dimension_numbers<[0], [0], [1], [1], [0, 1, 1, 1], [], []>, transpose_lhs_hint = false} : vector<128x128xf32>, vector<128x512xf32>, vector<128x512xf32> -> vector<128x512xf32>
    %swap3A_235 = arith.constant 2688 : index
    %swap3A_236 = arith.constant 0 : index
    %swap3A_237 = vector.load %arg9[%swap3A_235, %swap3A_236] : memref<3072x512xf32, #tpu.memory_space<vmem>>, vector<128x512xf32>
    tpu.vector_store %arg9[%swap3A_235, %swap3A_236], %dot_general3A_234 {strides = array<i32>} : memref<3072x512xf32, #tpu.memory_space<vmem>>, vector<128x512xf32>,
    %slice3A_238 = vector.extract_strided_slice %add3A {offsets = [22, 0], sizes = [1, 128], strides = [1, 1]} : vector<24x128xi32> to vector<1x128xi32>
    %eq3A_239 = vector.broadcast %slice3A_238 : vector<1x128xi32> to vector<128x128xi32>
    %eq3A_240 = arith.cmpi eq, %iota3A, %eq3A_239 : vector<128x128xi32>
    %convert_element_type3A_241 = arith.extui %eq3A_240 : vector<128x128xi1> to vector<128x128xi32>
    %convert_element_type3A_242 = arith.sitofp %convert_element_type3A_241 : vector<128x128xi32> to vector<128x128xf32>
    %dot_general3A_243 = arith.constant dense<0.000000e+00> : vector<128x512xf32>
    %dot_general3A_244 = tpu.matmul %convert_element_type3A_242, %get3A_20, %dot_general3A_243 {dimension_numbers = #tpu.dot_dimension_numbers<[0], [0], [1], [1], [0, 1, 1, 1], [], []>, transpose_lhs_hint = false} : vector<128x128xf32>, vector<128x512xf32>, vector<128x512xf32> -> vector<128x512xf32>
    %swap3A_245 = arith.constant 2816 : index
    %swap3A_246 = arith.constant 0 : index
    %swap3A_247 = vector.load %arg9[%swap3A_245, %swap3A_246] : memref<3072x512xf32, #tpu.memory_space<vmem>>, vector<128x512xf32>
    tpu.vector_store %arg9[%swap3A_245, %swap3A_246], %dot_general3A_244 {strides = array<i32>} : memref<3072x512xf32, #tpu.memory_space<vmem>>, vector<128x512xf32>,
    %slice3A_248 = vector.extract_strided_slice %add3A {offsets = [23, 0], sizes = [1, 128], strides = [1, 1]} : vector<24x128xi32> to vector<1x128xi32>
    %eq3A_249 = vector.broadcast %slice3A_248 : vector<1x128xi32> to vector<128x128xi32>
    %eq3A_250 = arith.cmpi eq, %iota3A, %eq3A_249 : vector<128x128xi32>
    %convert_element_type3A_251 = arith.extui %eq3A_250 : vector<128x128xi1> to vector<128x128xi32>
    %convert_element_type3A_252 = arith.sitofp %convert_element_type3A_251 : vector<128x128xi32> to vector<128x128xf32>
    %dot_general3A_253 = arith.constant dense<0.000000e+00> : vector<128x512xf32>
    %dot_general3A_254 = tpu.matmul %convert_element_type3A_252, %get3A_20, %dot_general3A_253 {dimension_numbers = #tpu.dot_dimension_numbers<[0], [0], [1], [1], [0, 1, 1, 1], [], []>, transpose_lhs_hint = false} : vector<128x128xf32>, vector<128x512xf32>, vector<128x512xf32> -> vector<128x512xf32>
    %swap3A_255 = arith.constant 2944 : index
    %swap3A_256 = arith.constant 0 : index
    %swap3A_257 = vector.load %arg9[%swap3A_255, %swap3A_256] : memref<3072x512xf32, #tpu.memory_space<vmem>>, vector<128x512xf32>
    tpu.vector_store %arg9[%swap3A_255, %swap3A_256], %dot_general3A_254 {strides = array<i32>} : memref<3072x512xf32, #tpu.memory_space<vmem>>, vector<128x512xf32>,
    return
  }
  func.func @transform_0(%arg0: i32) -> (i32, i32) {
    %c0_i32 = arith.constant 0 : i32
    %c0_i32_0 = arith.constant 0 : i32
    return %arg0, %c0_i32 : i32, i32
  }
  func.func @transform_1(%arg0: i32) -> (i32, i32) {
    %c0_i32 = arith.constant 0 : i32
    %c0_i32_0 = arith.constant 0 : i32
    return %arg0, %c0_i32 : i32, i32
  }
  func.func @transform_2(%arg0: i32) -> (i32, i32) {
    %c0_i32 = arith.constant 0 : i32
    %c0_i32_0 = arith.constant 0 : i32
    %c0_i32_1 = arith.constant 0 : i32
    return %c0_i32, %c0_i32_0 : i32, i32
  }
  func.func @transform_3(%arg0: i32) -> (i32, i32) {
    %c0_i32 = arith.constant 0 : i32
    %c0_i32_0 = arith.constant 0 : i32
    %c0_i32_1 = arith.constant 0 : i32
    return %c0_i32, %c0_i32_0 : i32, i32
  }
  func.func @transform_4(%arg0: i32) -> (i32, i32) {
    %c0_i32 = arith.constant 0 : i32
    %c0_i32_0 = arith.constant 0 : i32
    %c0_i32_1 = arith.constant 0 : i32
    return %c0_i32, %c0_i32_0 : i32, i32
  }
  func.func @transform_5(%arg0: i32) -> (i32, i32) {
    %c0_i32 = arith.constant 0 : i32
    %c0_i32_0 = arith.constant 0 : i32
    %c0_i32_1 = arith.constant 0 : i32
    return %c0_i32, %c0_i32_0 : i32, i32
  }
  func.func @transform_6(%arg0: i32) -> (i32, i32) {
    %c0_i32 = arith.constant 0 : i32
    %c0_i32_0 = arith.constant 0 : i32
    %c0_i32_1 = arith.constant 0 : i32
    return %c0_i32, %c0_i32_0 : i32, i32
  }
  func.func @transform_7(%arg0: i32) -> (i32, i32) {
    %c0_i32 = arith.constant 0 : i32
    %c0_i32_0 = arith.constant 0 : i32
    %c0_i32_1 = arith.constant 0 : i32
    return %c0_i32, %c0_i32_0 : i32, i32
  }
  func.func @transform_8(%arg0: i32) -> (i32, i32) {
    %c0_i32 = arith.constant 0 : i32
    %c0_i32_0 = arith.constant 0 : i32
    return %arg0, %c0_i32 : i32, i32
  }
}

module attributes {stable_mosaic.version = 14 : i64} {
  func.func @_table_body(%arg0: i32, %arg1: memref<8x128xi32, #tpu.memory_space<vmem>>, %arg2: memref<8x128xi32, #tpu.memory_space<vmem>>, %arg3: memref<25x256xf32, #tpu.memory_space<vmem>>, %arg4: memref<4x64xf32, #tpu.memory_space<vmem>>, %arg5: memref<320x512xf32, #tpu.memory_space<vmem>>, %arg6: memref<1x512xf32, #tpu.memory_space<vmem>>, %arg7: memref<512x512xf32, #tpu.memory_space<vmem>>, %arg8: memref<1x512xf32, #tpu.memory_space<vmem>>, %arg9: memref<128x512xf32, #tpu.memory_space<vmem>>, %arg10: memref<8x128xi32, #tpu.memory_space<vmem>>) attributes {dimension_semantics = [#tpu.dimension_semantics<arbitrary>], iteration_bounds = array<i64: 1>, scalar_prefetch = 0 : i64, scratch_operands = 0 : i64, tpu.core_type = #tpu.core_type<tc>, window_params = [{transform_indices = @transform_0, window_bounds = array<i64: 8, 128>}, {transform_indices = @transform_1, window_bounds = array<i64: 8, 128>}, {pipeline_mode = #tpu.pipeline_mode<synchronous>, transform_indices = @transform_2, window_bounds = array<i64: 25, 256>}, {pipeline_mode = #tpu.pipeline_mode<synchronous>, transform_indices = @transform_3, window_bounds = array<i64: 4, 64>}, {pipeline_mode = #tpu.pipeline_mode<synchronous>, transform_indices = @transform_4, window_bounds = array<i64: 320, 512>}, {pipeline_mode = #tpu.pipeline_mode<synchronous>, transform_indices = @transform_5, window_bounds = array<i64: 1, 512>}, {pipeline_mode = #tpu.pipeline_mode<synchronous>, transform_indices = @transform_6, window_bounds = array<i64: 512, 512>}, {pipeline_mode = #tpu.pipeline_mode<synchronous>, transform_indices = @transform_7, window_bounds = array<i64: 1, 512>}, {pipeline_mode = #tpu.pipeline_mode<synchronous>, transform_indices = @transform_8, window_bounds = array<i64: 128, 512>}, {pipeline_mode = #tpu.pipeline_mode<synchronous>, transform_indices = @transform_9, window_bounds = array<i64: 8, 128>}]} {
    %get3A = arith.constant 0 : index
    %get3A_0 = arith.constant 0 : index
    %get3A_1 = vector.load %arg1[%get3A, %get3A_0] : memref<8x128xi32, #tpu.memory_space<vmem>>, vector<8x128xi32>
    %get3A_2 = arith.constant 0 : index
    %get3A_3 = arith.constant 0 : index
    %get3A_4 = vector.load %arg2[%get3A_2, %get3A_3] : memref<8x128xi32, #tpu.memory_space<vmem>>, vector<8x128xi32>
    %jit3A = arith.constant 0 : i32
    %jit3A_5 = arith.constant 24 : i32
    %max3A = vector.broadcast %jit3A : i32 to vector<8x128xi32>
    %max3A_6 = arith.maxsi %max3A, %get3A_1 : vector<8x128xi32>
    %min3A = vector.broadcast %jit3A_5 : i32 to vector<8x128xi32>
    %min3A_7 = arith.minsi %min3A, %max3A_6 : vector<8x128xi32>
    %jit3A_8 = arith.constant 0 : i32
    %jit3A_9 = arith.constant 3 : i32
    %max3A_10 = vector.broadcast %jit3A_8 : i32 to vector<8x128xi32>
    %max3A_11 = arith.maxsi %max3A_10, %get3A_4 : vector<8x128xi32>
    %min3A_12 = vector.broadcast %jit3A_9 : i32 to vector<8x128xi32>
    %min3A_13 = arith.minsi %min3A_12, %max3A_11 : vector<8x128xi32>
    %mul3A = arith.constant 4 : i32
    %mul3A_14 = vector.broadcast %mul3A : i32 to vector<8x128xi32>
    %mul3A_15 = arith.muli %min3A_7, %mul3A_14 : vector<8x128xi32>
    %add3A = arith.addi %mul3A_15, %min3A_13 : vector<8x128xi32>
    %swap3A = arith.constant 0 : index
    %swap3A_16 = arith.constant 0 : index
    %swap3A_17 = vector.load %arg10[%swap3A, %swap3A_16] : memref<8x128xi32, #tpu.memory_space<vmem>>, vector<8x128xi32>
    tpu.vector_store %arg10[%swap3A, %swap3A_16], %add3A {strides = array<i32>} : memref<8x128xi32, #tpu.memory_space<vmem>>, vector<8x128xi32>,
    %get3A_18 = arith.constant 0 : index
    %get3A_19 = arith.constant 0 : index
    %get3A_20 = vector.load %arg3[%get3A_18, %get3A_19] : memref<25x256xf32, #tpu.memory_space<vmem>>, vector<25x256xf32>
    %get3A_21 = arith.constant 0 : index
    %get3A_22 = arith.constant 0 : index
    %get3A_23 = vector.load %arg5[%get3A_21, %get3A_22] : memref<320x512xf32, #tpu.memory_space<vmem>>, vector<256x512xf32>
    %dot_general3A = arith.constant dense<0.000000e+00> : vector<25x512xf32>
    %dot_general3A_24 = tpu.matmul %get3A_20, %get3A_23, %dot_general3A {dimension_numbers = #tpu.dot_dimension_numbers<[1], [0], [0], [1], [0, 0, 1, 1], [], []>, transpose_lhs_hint = false} : vector<25x256xf32>, vector<256x512xf32>, vector<25x512xf32> -> vector<25x512xf32>
    %get3A_25 = arith.constant 0 : index
    %get3A_26 = arith.constant 0 : index
    %get3A_27 = vector.load %arg4[%get3A_25, %get3A_26] : memref<4x64xf32, #tpu.memory_space<vmem>>, vector<4x64xf32>
    %get3A_28 = arith.constant 256 : index
    %get3A_29 = arith.constant 0 : index
    %get3A_30 = vector.load %arg5[%get3A_28, %get3A_29] : memref<320x512xf32, #tpu.memory_space<vmem>>, vector<64x512xf32>
    %dot_general3A_31 = arith.constant dense<0.000000e+00> : vector<4x512xf32>
    %dot_general3A_32 = tpu.matmul %get3A_27, %get3A_30, %dot_general3A_31 {dimension_numbers = #tpu.dot_dimension_numbers<[1], [0], [0], [1], [0, 0, 1, 1], [], []>, transpose_lhs_hint = false} : vector<4x64xf32>, vector<64x512xf32>, vector<4x512xf32> -> vector<4x512xf32>
    %iota3A = tpu.iota {dimensions = array<i32: 0>} : vector<128x25xi32>
    %iota3A_33 = tpu.iota {dimensions = array<i32: 1>} : vector<128x25xi32>
    %jit3A_34 = arith.constant 4 : i32
    %div3A = vector.broadcast %jit3A_34 : i32 to vector<128x25xi32>
    %div3A_35 = arith.divsi %iota3A, %div3A : vector<128x25xi32>
    %sign3A = arith.constant 0 : i32
    %sign3A_36 = vector.broadcast %sign3A : i32 to vector<128x25xi32>
    %sign3A_37 = arith.cmpi sgt, %iota3A, %sign3A_36 : vector<128x25xi32>
    %sign3A_38 = arith.extui %sign3A_37 : vector<128x25xi1> to vector<128x25xi32>
    %sign3A_39 = arith.constant 0 : i32
    %sign3A_40 = vector.broadcast %sign3A_39 : i32 to vector<128x25xi32>
    %sign3A_41 = arith.cmpi slt, %iota3A, %sign3A_40 : vector<128x25xi32>
    %sign3A_42 = arith.extui %sign3A_41 : vector<128x25xi1> to vector<128x25xi32>
    %sign3A_43 = arith.subi %sign3A_38, %sign3A_42 : vector<128x25xi32>
    %sign3A_44 = arith.constant 0 : i32
    %sign3A_45 = arith.cmpi sgt, %jit3A_34, %sign3A_44 : i32
    %sign3A_46 = arith.extui %sign3A_45 : i1 to i32
    %sign3A_47 = arith.constant 0 : i32
    %sign3A_48 = arith.cmpi slt, %jit3A_34, %sign3A_47 : i32
    %sign3A_49 = arith.extui %sign3A_48 : i1 to i32
    %sign3A_50 = arith.subi %sign3A_46, %sign3A_49 : i32
    %ne3A = vector.broadcast %sign3A_50 : i32 to vector<128x25xi32>
    %ne3A_51 = arith.cmpi ne, %sign3A_43, %ne3A : vector<128x25xi32>
    %rem3A = vector.broadcast %jit3A_34 : i32 to vector<128x25xi32>
    %rem3A_52 = arith.remsi %iota3A, %rem3A : vector<128x25xi32>
    %ne3A_53 = arith.constant 0 : i32
    %ne3A_54 = vector.broadcast %ne3A_53 : i32 to vector<128x25xi32>
    %ne3A_55 = arith.cmpi ne, %rem3A_52, %ne3A_54 : vector<128x25xi32>
    %and3A = arith.andi %ne3A_51, %ne3A_55 : vector<128x25xi1>
    %sub3A = arith.constant 1 : i32
    %sub3A_56 = vector.broadcast %sub3A : i32 to vector<128x25xi32>
    %sub3A_57 = arith.subi %div3A_35, %sub3A_56 : vector<128x25xi32>
    %select_n3A = arith.select %and3A, %sub3A_57, %div3A_35 : vector<128x25xi1>, vector<128x25xi32>
    %eq3A = arith.cmpi eq, %select_n3A, %iota3A_33 : vector<128x25xi32>
    %convert_element_type3A = arith.extui %eq3A : vector<128x25xi1> to vector<128x25xi32>
    %convert_element_type3A_58 = arith.sitofp %convert_element_type3A : vector<128x25xi32> to vector<128x25xf32>
    %iota3A_59 = tpu.iota {dimensions = array<i32: 0>} : vector<128x4xi32>
    %iota3A_60 = tpu.iota {dimensions = array<i32: 1>} : vector<128x4xi32>
    %jit3A_61 = arith.constant 4 : i32
    %eq3A_62 = arith.constant 0 : i32
    %eq3A_63 = arith.cmpi eq, %jit3A_61, %eq3A_62 : i32
    %jit3A_64 = arith.constant 1 : i32
    %select_n3A_65 = arith.select %eq3A_63, %jit3A_64, %jit3A_61 : i32
    %rem3A_66 = vector.broadcast %select_n3A_65 : i32 to vector<128x4xi32>
    %rem3A_67 = arith.remsi %iota3A_59, %rem3A_66 : vector<128x4xi32>
    %ne3A_68 = arith.constant 0 : i32
    %ne3A_69 = vector.broadcast %ne3A_68 : i32 to vector<128x4xi32>
    %ne3A_70 = arith.cmpi ne, %rem3A_67, %ne3A_69 : vector<128x4xi32>
    %lt3A = arith.constant 0 : i32
    %lt3A_71 = vector.broadcast %lt3A : i32 to vector<128x4xi32>
    %lt3A_72 = arith.cmpi slt, %rem3A_67, %lt3A_71 : vector<128x4xi32>
    %lt3A_73 = arith.constant 0 : i32
    %lt3A_74 = arith.cmpi slt, %select_n3A_65, %lt3A_73 : i32
    %ne3A_75 = vector.broadcast %lt3A_74 : i1 to vector<128x4xi1>
    %ne3A_76 = vector.broadcast %ne3A_75 : vector<128x4xi1> to vector<128x4xi1>
    %ne3A_77 = arith.xori %lt3A_72, %ne3A_76 : vector<128x4xi1>
    %and3A_78 = arith.andi %ne3A_77, %ne3A_70 : vector<128x4xi1>
    %add3A_79 = vector.broadcast %select_n3A_65 : i32 to vector<128x4xi32>
    %add3A_80 = arith.addi %rem3A_67, %add3A_79 : vector<128x4xi32>
    %select_n3A_81 = arith.select %and3A_78, %add3A_80, %rem3A_67 : vector<128x4xi1>, vector<128x4xi32>
    %eq3A_82 = arith.cmpi eq, %select_n3A_81, %iota3A_60 : vector<128x4xi32>
    %lt3A_83 = arith.constant 100 : i32
    %lt3A_84 = vector.broadcast %lt3A_83 : i32 to vector<128x4xi32>
    %lt3A_85 = arith.cmpi slt, %iota3A_59, %lt3A_84 : vector<128x4xi32>
    %and3A_86 = arith.andi %eq3A_82, %lt3A_85 : vector<128x4xi1>
    %convert_element_type3A_87 = arith.extui %and3A_86 : vector<128x4xi1> to vector<128x4xi32>
    %convert_element_type3A_88 = arith.sitofp %convert_element_type3A_87 : vector<128x4xi32> to vector<128x4xf32>
    %dot_general3A_89 = arith.constant dense<0.000000e+00> : vector<128x512xf32>
    %dot_general3A_90 = tpu.matmul %convert_element_type3A_58, %dot_general3A_24, %dot_general3A_89 {dimension_numbers = #tpu.dot_dimension_numbers<[1], [0], [0], [1], [0, 0, 1, 1], [], []>, transpose_lhs_hint = false} : vector<128x25xf32>, vector<25x512xf32>, vector<128x512xf32> -> vector<128x512xf32>
    %dot_general3A_91 = arith.constant dense<0.000000e+00> : vector<128x512xf32>
    %dot_general3A_92 = tpu.matmul %convert_element_type3A_88, %dot_general3A_32, %dot_general3A_91 {dimension_numbers = #tpu.dot_dimension_numbers<[1], [0], [0], [1], [0, 0, 1, 1], [], []>, transpose_lhs_hint = false} : vector<128x4xf32>, vector<4x512xf32>, vector<128x512xf32> -> vector<128x512xf32>
    %add3A_93 = arith.addf %dot_general3A_90, %dot_general3A_92 : vector<128x512xf32>
    %get3A_94 = arith.constant 0 : index
    %get3A_95 = arith.constant 0 : index
    %get3A_96 = vector.load %arg6[%get3A_94, %get3A_95] : memref<1x512xf32, #tpu.memory_space<vmem>>, vector<1x512xf32>
    %add3A_97 = vector.broadcast %get3A_96 : vector<1x512xf32> to vector<128x512xf32>
    %add3A_98 = arith.addf %add3A_93, %add3A_97 : vector<128x512xf32>
    %mul3A_99 = arith.constant 5.000000e-01 : f32
    %mul3A_100 = vector.broadcast %mul3A_99 : f32 to vector<128x512xf32>
    %mul3A_101 = arith.mulf %mul3A_100, %add3A_98 : vector<128x512xf32>
    %mul3A_102 = arith.constant 0.707106769 : f32
    %mul3A_103 = vector.broadcast %mul3A_102 : f32 to vector<128x512xf32>
    %mul3A_104 = arith.mulf %add3A_98, %mul3A_103 : vector<128x512xf32>
    %erf3A = math.erf %mul3A_104 : vector<128x512xf32>
    %add3A_105 = arith.constant 1.000000e+00 : f32
    %add3A_106 = vector.broadcast %add3A_105 : f32 to vector<128x512xf32>
    %add3A_107 = arith.addf %add3A_106, %erf3A : vector<128x512xf32>
    %mul3A_108 = arith.mulf %mul3A_101, %add3A_107 : vector<128x512xf32>
    %get3A_109 = arith.constant 0 : index
    %get3A_110 = arith.constant 0 : index
    %get3A_111 = vector.load %arg7[%get3A_109, %get3A_110] : memref<512x512xf32, #tpu.memory_space<vmem>>, vector<512x512xf32>
    %dot_general3A_112 = arith.constant dense<0.000000e+00> : vector<128x512xf32>
    %dot_general3A_113 = tpu.matmul %mul3A_108, %get3A_111, %dot_general3A_112 {dimension_numbers = #tpu.dot_dimension_numbers<[1], [1], [0], [0], [0, 0, 1, 0], [], []>, transpose_lhs_hint = false} : vector<128x512xf32>, vector<512x512xf32>, vector<128x512xf32> -> vector<128x512xf32>
    %get3A_114 = arith.constant 0 : index
    %get3A_115 = arith.constant 0 : index
    %get3A_116 = vector.load %arg8[%get3A_114, %get3A_115] : memref<1x512xf32, #tpu.memory_space<vmem>>, vector<1x512xf32>
    %add3A_117 = vector.broadcast %get3A_116 : vector<1x512xf32> to vector<128x512xf32>
    %add3A_118 = arith.addf %dot_general3A_113, %add3A_117 : vector<128x512xf32>
    %swap3A_119 = arith.constant 0 : index
    %swap3A_120 = arith.constant 0 : index
    %swap3A_121 = vector.load %arg9[%swap3A_119, %swap3A_120] : memref<128x512xf32, #tpu.memory_space<vmem>>, vector<128x512xf32>
    tpu.vector_store %arg9[%swap3A_119, %swap3A_120], %add3A_118 {strides = array<i32>} : memref<128x512xf32, #tpu.memory_space<vmem>>, vector<128x512xf32>,
    return
  }
  func.func @transform_0(%arg0: i32) -> (i32, i32) {
    %c15_i32 = arith.constant 15 : i32
    %c0_i32 = arith.constant 0 : i32
    %c0_i32_0 = arith.constant 0 : i32
    return %c15_i32, %c0_i32 : i32, i32
  }
  func.func @transform_1(%arg0: i32) -> (i32, i32) {
    %c15_i32 = arith.constant 15 : i32
    %c0_i32 = arith.constant 0 : i32
    %c0_i32_0 = arith.constant 0 : i32
    return %c15_i32, %c0_i32 : i32, i32
  }
  func.func @transform_2(%arg0: i32) -> (i32, i32) {
    %c0_i32 = arith.constant 0 : i32
    %c0_i32_0 = arith.constant 0 : i32
    %c0_i32_1 = arith.constant 0 : i32
    return %c0_i32, %c0_i32_0 : i32, i32
  }
  func.func @transform_3(%arg0: i32) -> (i32, i32) {
    %c0_i32 = arith.constant 0 : i32
    %c0_i32_0 = arith.constant 0 : i32
    %c0_i32_1 = arith.constant 0 : i32
    return %c0_i32, %c0_i32_0 : i32, i32
  }
  func.func @transform_4(%arg0: i32) -> (i32, i32) {
    %c0_i32 = arith.constant 0 : i32
    %c0_i32_0 = arith.constant 0 : i32
    %c0_i32_1 = arith.constant 0 : i32
    return %c0_i32, %c0_i32_0 : i32, i32
  }
  func.func @transform_5(%arg0: i32) -> (i32, i32) {
    %c0_i32 = arith.constant 0 : i32
    %c0_i32_0 = arith.constant 0 : i32
    %c0_i32_1 = arith.constant 0 : i32
    return %c0_i32, %c0_i32_0 : i32, i32
  }
  func.func @transform_6(%arg0: i32) -> (i32, i32) {
    %c0_i32 = arith.constant 0 : i32
    %c0_i32_0 = arith.constant 0 : i32
    %c0_i32_1 = arith.constant 0 : i32
    return %c0_i32, %c0_i32_0 : i32, i32
  }
  func.func @transform_7(%arg0: i32) -> (i32, i32) {
    %c0_i32 = arith.constant 0 : i32
    %c0_i32_0 = arith.constant 0 : i32
    %c0_i32_1 = arith.constant 0 : i32
    return %c0_i32, %c0_i32_0 : i32, i32
  }
  func.func @transform_8(%arg0: i32) -> (i32, i32) {
    %c0_i32 = arith.constant 0 : i32
    %c0_i32_0 = arith.constant 0 : i32
    %c0_i32_1 = arith.constant 0 : i32
    return %c0_i32, %c0_i32_0 : i32, i32
  }
  func.func @transform_9(%arg0: i32) -> (i32, i32) {
    %c0_i32 = arith.constant 0 : i32
    %c0_i32_0 = arith.constant 0 : i32
    %c0_i32_1 = arith.constant 0 : i32
    return %c0_i32, %c0_i32_0 : i32, i32
  }
}

</mosaic_0001>

<sc_bundles>
// kernel: kernel.6.cloned.1.call-start
scs
__scs_entry_jumppad:
0x0: {  	(pc) =	sbr.rel $0x88, $3  }
0x1: {  	(tag) =	ssettag $0x0;
	lr =	simm.s32 $0x1  }
0x2: {  	[smem:$0x3F99] =	sst lr;
	_ =	strace $0xD0000000  }
0x3: {  	_ = 	snop  }
0x4: {  	_ = 	snop  }
0x5: {  	_ = 	snop  }
0x6: {  	_ = 	snop  }
0x7: {  	_ = 	snop  }
__scs_overlays_trampoline_lowered:
0x8: {  	[smem:$0x3FA8] =	sst s0  }
0x9: {  	[smem:$0x3FA9] =	sst s1  }
0xa: {  	[smem:$0x3FAA] =	sst s2  }
0xb: {  	[smem:$0x3FAB] =	sst s3  }
0xc: {  	[smem:$0x3FAC] =	sst s4  }
0xd: {  	[smem:$0x3FAD] =	sst s5  }
0xe: {  	[smem:$0x3FAE] =	sst s6  }
0xf: {  	[smem:$0x3FAF] =	sst s7  }
0x10: {  	[smem:$0x3FB0] =	sst s8  }
0x11: {  	[smem:$0x3FB1] =	sst s9;
	s0 =	simm.s32 @!p0 $0x0  }
0x12: {  	s1 =	sld [smem:$0x3F97];
	s0 =	simm.s32 @p0 $0x1  }
0x13: {  	[smem:$0x3FB2] =	sst s0;
	s0 =	simm.s32 @!p1 $0x0  }
0x14: {  	s2 =	sld [smem:$0x3F96];
	s0 =	simm.s32 @p1 $0x1  }
0x15: {  	[smem:$0x3FB3] =	sst s0;
	s0 =	simm.s32 @!p2 $0x0  }
0x16: {  	s3 =	sld [smem:$0x3FDB];
	s0 =	simm.s32 @p2 $0x1  }
0x17: {  	s4 =	simm.s32 $0x1BF5;
	[smem:$0x3FB5] =	sst s0  }
0x18: {  	s0 =	sld [smem:$0x3F98];
	_ =	swait.ge [sflag:s4], $0x0  }
0x19: {  	s7 =	sld [smem:$0x3F99]  }
0x1a: {  	s8 =	sadd.s32 $0xFFFFE003, lr  }
0x1b: {  	s9 =	sadd.s32 $0xFFFFFEF7, lr;
	s5 =	simm.s32 $0xFFFFFFFF;
	p2 =	slt.u32 s8, $0xFFFFF086  }
0x1c: {  	p1 =	slt.u32 s9, $0xF7A;
	s5 =	simm.s32 @!p2 $0x0  }
0x1d: {  	s5 =	simm.s32 @p1 $0x1;
	p0 =	seq.s32 s7, s2  }
0x1e: {  	s7 =	smul.u32 @!p0 $0xF7A, s2;
	p2 =	seq.s32 @!p0 s5, $0x0  }
0x1f: {  	s9 =	smul.u32 $0xF7A, s1;
	s8 =	simm.s32 @!p0 $0x1BF5;
	p2 =	por !p2, p0  }
0x20: {  	[sflag:s8] =	ssyncset.s32 @!p0 $0xFFFFF086;
	s6 =	sadd.s32 @!p0 s3, s7;
	s7 =	simm.s32 @!p0 $0x108  }
0x21: {  	s3 =	sadd.s32 s3, s9;
	s6 =	sadd.s32 @!p0 $0x88, s6;
	s7 =	simm.s32 @p2 $0x1082  }
0x22: {  	[simem:s7], [sflag:s8] =	dma.local @!p0 [hbm:s6], $0xF7A  }
0x23: {  	s9 =	sor.u32 $0xD0000000, s2;
	s6 =	simm.s32 $0x108;
	_ =	swait.ge @!p0 [sflag:s8], $0x0  }
0x24: {  	s3 =	sadd.s32 $0x88, s3;
	s6 =	simm.s32 @!p1 $0x1082;
	[sflag:s4] =	ssyncset.s32 $0xFFFFF086  }
0x25: {  	[simem:s6], [sflag:s4] =	dma.local [hbm:s3], $0xF7A  }
0x26: {  	[smem:$0x3F99] =	sst s1;
	(tag) =	ssettag s2;
	_ =	strace s9  }
0x27: {  	s1 =	sld [smem:$0x3FA9]  }
0x28: {  	s2 =	sld [smem:$0x3FAA]  }
0x29: {  	s4 =	sld [smem:$0x3FAC]  }
0x2a: {  	p0 =	seq.s32 s5, $0x0;
	s5 =	sld [smem:$0x3FAD]  }
0x2b: {  	s6 =	sld [smem:$0x3FAE]  }
0x2c: {  	s7 =	sld [smem:$0x3FAF]  }
0x2d: {  	s3 =	simm.s32 $0x108;
	s8 =	sld [smem:$0x3FB0]  }
0x2e: {  	s3 =	simm.s32 @!p0 $0x1082;
	s9 =	sld [smem:$0x3FB1]  }
0x2f: {  	lr =	sadd.s32 s0, s3;
	s0 =	sld [smem:$0x3FA8]  }
0x30: {  	s3 =	sld [smem:$0x3FAB]  }
0x31: {  	[smem:$0x3FB4] =	sst s10  }
0x32: {  	s10 =	sld [smem:$0x3FB2];
	_ =	sdelay $0x3  }
0x33: {  	p0 =	seq.s32 s10, $0x1;
	s10 =	sld [smem:$0x3FB4];
	_ =	sdelay $0x3  }
0x34: {  	[smem:$0x3FB4] =	sst s10  }
0x35: {  	s10 =	sld [smem:$0x3FB3];
	_ =	sdelay $0x3  }
0x36: {  	p1 =	seq.s32 s10, $0x1;
	s10 =	sld [smem:$0x3FB4];
	_ =	sdelay $0x3  }
0x37: {  	[smem:$0x3FB4] =	sst s10  }
0x38: {  	s10 =	sld [smem:$0x3FB5]  }
0x39: {  	_ = 	snop;
	(pc) =	sbr.ind lr, $3  }
0x3a: {  	_ = 	snop  }
0x3b: {  	_ = 	snop  }
0x3c: {  	p2 =	seq.s32 s10, $0x1;
	s10 =	sld [smem:$0x3FB4]  }
0x3d: {  	_ =	shalt  }
0x3e: {  	_ =	shalt  }
0x3f: {  	_ =	shalt  }
0x40: {  	_ =	shalt  }
0x41: {  	_ =	shalt  }
0x42: {  	_ =	shalt  }
0x43: {  	_ =	shalt  }
0x44: {  	_ =	shalt  }
0x45: {  	_ =	shalt  }
0x46: {  	_ =	shalt  }
0x47: {  	_ =	shalt  }
0x48: {  	_ =	shalt  }
0x49: {  	_ =	shalt  }
0x4a: {  	_ =	shalt  }
0x4b: {  	_ =	shalt  }
0x4c: {  	_ =	shalt  }
0x4d: {  	_ =	shalt  }
0x4e: {  	_ =	shalt  }
0x4f: {  	_ =	shalt  }
0x50: {  	_ =	shalt  }
0x51: {  	_ =	shalt  }
0x52: {  	_ =	shalt  }
0x53: {  	_ =	shalt  }
0x54: {  	_ =	shalt  }
0x55: {  	_ =	shalt  }
0x56: {  	_ =	shalt  }
0x57: {  	_ =	shalt  }
0x58: {  	_ =	shalt  }
0x59: {  	_ =	shalt  }
0x5a: {  	_ =	shalt  }
0x5b: {  	_ =	shalt  }
0x5c: {  	_ =	shalt  }
0x5d: {  	_ =	shalt  }
0x5e: {  	_ =	shalt  }
0x5f: {  	_ =	shalt  }
0x60: {  	_ =	shalt  }
0x61: {  	_ =	shalt  }
0x62: {  	_ =	shalt  }
0x63: {  	_ =	shalt  }
0x64: {  	_ =	shalt  }
0x65: {  	_ =	shalt  }
0x66: {  	_ =	shalt  }
0x67: {  	_ =	shalt  }
0x68: {  	_ =	shalt  }
0x69: {  	_ =	shalt  }
0x6a: {  	_ =	shalt  }
0x6b: {  	_ =	shalt  }
0x6c: {  	_ =	shalt  }
0x6d: {  	_ =	shalt  }
0x6e: {  	_ =	shalt  }
0x6f: {  	_ =	shalt  }
0x70: {  	_ =	shalt  }
0x71: {  	_ =	shalt  }
0x72: {  	_ =	shalt  }
0x73: {  	_ =	shalt  }
0x74: {  	_ =	shalt  }
0x75: {  	_ =	shalt  }
0x76: {  	_ =	shalt  }
0x77: {  	_ =	shalt  }
0x78: {  	_ =	shalt  }
0x79: {  	_ =	shalt  }
0x7a: {  	_ =	shalt  }
0x7b: {  	_ =	shalt  }
0x7c: {  	_ =	shalt  }
0x7d: {  	_ =	shalt  }
0x7e: {  	_ =	shalt  }
0x7f: {  	_ =	shalt  }
0x80: {  	_ =	shalt  }
0x81: {  	_ =	shalt  }
0x82: {  	_ =	shalt  }
0x83: {  	_ =	shalt  }
0x84: {  	_ =	shalt  }
0x85: {  	_ =	shalt  }
0x86: {  	_ =	shalt  }
0x87: {  	_ =	shalt  }
.Lfunc_end0:
.L_simem_size_0:
called_computation_lowered:
.L_overlay_start_0:
0x88: {  	s2 =	sld [smem:$0x3FD9]  }
0x89: {  	s3 =	sld [smem:$0x3FFE];
	_ =	sdelay $0x1  }
0x8a: {  	s1 =	srdreg.scid  }
0x8b: {  	s0 =	sand.u32 $0x1, s1  }
0x8c: {  	s16 =	sshll.u32 s0, $0xA;
	s2 =	sadd.s32 s3, s2  }
0x8d: {  	s2 =	sadd.s32 s2, s16  }
0x8e: {  	[smem:$0x3FC0] =	sst s2  }
0x8f: {  	_ = 	snop  }
0x90: {  	(tm) =	ssettm $0x1  }
0x91: {  	s17 =	sld [smem:$0x3FFB];
	_ =	sdelay $0x3  }
0x92: {  	_ =	strace s17  }
0x93: {  	s2 =	sld [smem:$0x3FFC];
	_ =	sdelay $0x3  }
0x94: {  	_ =	strace s2  }
0x95: {  	s2 =	sld [smem:$0x3FFD];
	_ =	sdelay $0x3  }
0x96: {  	_ =	strace s2  }
0x97: {  	_ =	strace $0x8FFFFFFF  }
0x98: {  	s18 =	sld [smem:$0x3FDB];
	_ =	sdelay $0x1  }
0x99: {  	s19 =	simm.s32 $_scs_section_size  }
0x9a: {  	s4 =	simm.s32 $_size__tile_overlayer_lowered;
	s5 =	simm.s32 $_tile_overlayer_lowered  }
0x9b: {  	s22 =	simm.s32 $0x1BFF;
	s21 =	sshll.u32 s5, $0x1;
	s2 =	sadd.s32 s19, s18  }
0x9c: {  	s6 =	simm.s32 $0x0;
	s20 =	sshll.u32 s4, $0x1;
	s4 =	sadd.s32 s21, s2  }
0x9d: {  	[timem:s6], [sflag:s22] =	dma.local [hbm:s4], s20  }
0x9e: {  	_ =	swait.ge [sflag:s22], s20  }
0x9f: {  	s3 =	ssub.s32 $0x0, s20;
	[sflag:s22] =	ssyncset.done $0x0  }
0xa0: {  	[sflag:s22] =	ssyncadd.s32 s3;
	_ =	sdelay $0x1  }
0xa1: {  	s23 =	simm.s32 $0x1B8B  }
0xa2: {  	_ =	swait.ge [sflag:s23], $0x1  }
0xa3: {  	[sflag:s23] =	ssyncset.done $0x0  }
0xa4: {  	s25 =	simm.s32 $0x1B8E;
	s24 =	sld [smem:$0x3FFE];
	[sflag:s23] =	ssyncadd.s32 $0xFFFFFFFF  }
0xa5: {  	s26 =	simm.s32 $execute0_lowered;
	[smem:$0x3FD2] =	sst s25  }
0xa6: {  	s4 =	sshll.u32 s26, $0x1;
	_ =	strace $0x80000046;
	[dreg:$0x1] =	wrdreg $0xFFFFFFFF  }
0xa7: {  	s28 =	simm.s32 $_size_execute0_lowered;
	s2 =	sadd.s32 s2, s4;
	[dreg:$0x0] =	wrdreg $0x0  }
0xa8: {  	s4 =	sshll.u32 s28, $0x1;
	[dreg:$0x2] =	wrdreg s2  }
0xa9: {  	[dreg:$0x3] =	wrdreg s4  }
0xaa: {  	[dreg:$0x4] =	wrdreg $0xC0  }
0xab: {  	_ =	task [dreg:s6], $0x5FFFF  }
0xac: {  	[dreg:$0x1] =	wrdreg $0xFFFFFFFF  }
0xad: {  	[dreg:$0x0] =	wrdreg $0x60  }
0xae: {  	[dreg:$0x2] =	wrdreg s24  }
0xaf: {  	[dreg:$0x3] =	wrdreg $0x9  }
0xb0: {  	_ =	task.clear_ibuf [dreg:s6], $0x4FFFF;
	_ =	strace $0x90000046  }
0xb1: {  	s29 =	simm.s32 $0x9;
	_ =	strace $0x80000048  }
0xb2: {  	_ =	swait.ge [sflag:s29], $0x1  }
0xb3: {  	[sflag:s29] =	ssyncadd.s32 $0xFFFFFFFF  }
0xb4: {  	_ =	strace $0x90000048  }
0xb5: {  	_ =	sfence  }
0xb6: {  	s30 =	sld [smem:$0x0];
	_ =	sdelay $0x2  }
0xb7: {  	s31 =	sshll.u32 s1, $0xD;
	s1 =	sshrl.u32 s1, $0x2  }
0xb8: {  	s3 =	sand.u32 $0x4000, s31;
	s1 =	sadd.s32 s1, s30  }
0xb9: {  	s0 =	sor.u32 s3, s0;
	s1 =	sshll.u32 s1, $0x11  }
0xba: {  	s0 =	sor.u32 s1, s0  }
0xbb: {  	s0 =	sadd.s32 $0x8F2B, s0  }
0xbc: {  	[sflag:s0] =	ssyncadd.remote.s32 $0x1  }
0xbd: {  	_ =	sfence.sel $0xFFFF  }
0xbe: {  	[dreg:$0x0] =	wrdreg $0xFFFFFFFF;
	(pc) =	sbr.abs _section_cstart, $3  }
0xbf: {  	[dreg:$0x1] =	wrdreg $0xFFFFFFFF  }
0xc0: {  	_ =	task.clear_ibuf [dreg:s6], $0x2FFFF;
	_ =	strace $0x9FFFFFFF  }
0xc1: {  	(tm) =	ssettm $0x7FFFFFFF  }
tec
execute0_lowered:
.L_overlay_start_1:
0x0: {  	(tag) =	ssettag $0x1  }
0x1: {  	s5 =	rddreg [dreg:$0x0]  }
0x2: {  	s0 =	rddreg [dreg:$0x1];
	s2 =	simm.s32 $0x0;
	s3 =	srdreg.scid  }
0x3: {  	s1 =	stileid.u32;
	s9 =	simm.s32 $0x80;
	s10 =	simm.s32 $0x880  }
0x4: {  	s11 =	simm.s32 $0x1080;
	s12 =	simm.s32 $0x1880;
	s13 =	simm.s32 $0x2080  }
0x5: {  	s14 =	simm.s32 $0x2880;
	s15 =	simm.s32 $0x3080;
	s16 =	simm.s32 $0x3880  }
0x6: {  	s17 =	simm.s32 $0x1;
	s18 =	simm.s32 $0x2;
	s4 =	sand.u32 $0x1, s3  }
0x7: {  	[smem:$0x7FF] =	sst s2;
	s6 =	sshll.u32 s1, $0x6;
	s7 =	sshll.u32 s4, $0x5  }
0x8: {  	s3 =	sadd.s32 $0x2A00, s5;
	s4 =	ssub.s32 $0x2, s4;
	s6 =	sor.u32 s7, s6  }
0x9: {  	_ =	strace $0x80000047;
	s8 =	sshrl.u32 s4, $0x1;
	s7 =	sshrl.u32 s6, $0x3  }
0xa: {  	v2 =	vlaneseq.u32;
	s6 =	sshll.u32 s6, $0x6;
	s8 =	ssub.s32 s4, s8;
	s7 =	sadd.s32 s7, s5  }
0xb: {  	vm0 =	vmmov $0xffff;
	v1 =	vshrl.u32 v2, $0x3;
	s6 =	sadd.s32 s6, s5;
	s5 =	sadd.s32 $0x2B00, s5;
	s4 =	sadd.s32 $0x4A00, s7  }
0xc: {  	v0 =	vand.u32 $0x7, v2;
	v2 =	vor.u32 $0x8, v2;
	v1 =	vmul.u32 $0x8, v1;
	s6 =	sadd.s32 $0x4C00, s6;
	s7 =	smax.u32 s8, $0x1;
	s8 =	simm.s32 $0x3  }
.LBB2_1:
0xd: {  	[tilespmem:s2], [sflag:$0x3] =	stream.linear.gather [hbm4b:s4+s2], $0x20, $0x38;
	[tilespmem:$0x4080] =	vst v63  }
0xe: {  	_ =	swait.ge [sflag:s8], $0x20  }
0xf: {  	[sflag:s8] =	ssyncset.done $0x0  }
0x10: {  	[sflag:s8] =	ssyncadd.s32 $0xFFFFFFE0  }
0x11: {  	v3 =	vld [tilespmem:$0x0];
	_ =	sdelay $0x4  }
0x12: {  	v4 =	vshll.u32 v3, $0x2  }
0x13: {  	v3 =	vand.u32 $0x7, v3;
	v4 =	vand.u32 $0xFFFFFFE0, v4  }
0x14: {  	v3 =	vor.u32 v3, v4  }
0x15: {  	v4 =	vperm.xlane v3, v0;
	_ =	sdelay $0x1  }
0x16: {  	v4 =	vadd.s32 v1, v4;
	_ =	sdelay $0x1  }
0x17: {  	v3 =	vperm.xlane v3, v2;
	_ =	sdelay $0x1  }
0x18: {  	v3 =	vadd.s32 v1, v3  }
0x19: {  	[tilespmem:s9], [sflag:$0x1] =	stream.indirect_vreg.gather [hbm4b:s3+s2], $0x80, v4, vm0, $0xb8;
	[tilespmem:$0x4080] =	vst v63  }
0x1a: {  	_ = 	snop  }
0x1b: {  	[tilespmem:s10], [sflag:$0x1] =	stream.indirect_vreg.gather [hbm4b:s5+s2], $0x80, v4, vm0, $0xb8;
	[tilespmem:$0x4080] =	vst v63  }
0x1c: {  	_ = 	snop  }
0x1d: {  	[tilespmem:s11], [sflag:$0x1] =	stream.indirect_vreg.gather [hbm4b:s3+s2], $0x80, v3, vm0, $0xb8;
	[tilespmem:$0x4080] =	vst v63  }
0x1e: {  	_ = 	snop  }
0x1f: {  	[tilespmem:s12], [sflag:$0x1] =	stream.indirect_vreg.gather [hbm4b:s5+s2], $0x80, v3, vm0, $0xb8;
	[tilespmem:$0x4080] =	vst v63  }
0x20: {  	v3 =	vld [tilespmem:$0x10];
	_ =	sdelay $0x4  }
0x21: {  	v63 =	vshll.u32 v3, $0x2  }
0x22: {  	v3 =	vand.u32 $0x7, v3;
	v4 =	vand.u32 $0xFFFFFFE0, v63  }
0x23: {  	v3 =	vor.u32 v3, v4  }
0x24: {  	v4 =	vperm.xlane v3, v0;
	_ =	sdelay $0x1  }
0x25: {  	v4 =	vadd.s32 v1, v4;
	_ =	sdelay $0x1  }
0x26: {  	v3 =	vperm.xlane v3, v2;
	_ =	sdelay $0x1  }
0x27: {  	v3 =	vadd.s32 v1, v3  }
0x28: {  	[tilespmem:s13], [sflag:$0x1] =	stream.indirect_vreg.gather [hbm4b:s3+s2], $0x80, v4, vm0, $0xb8;
	[tilespmem:$0x4080] =	vst v63  }
0x29: {  	_ = 	snop  }
0x2a: {  	[tilespmem:s14], [sflag:$0x1] =	stream.indirect_vreg.gather [hbm4b:s5+s2], $0x80, v4, vm0, $0xb8;
	[tilespmem:$0x4080] =	vst v63  }
0x2b: {  	_ = 	snop  }
0x2c: {  	[tilespmem:s15], [sflag:$0x1] =	stream.indirect_vreg.gather [hbm4b:s3+s2], $0x80, v3, vm0, $0xb8;
	[tilespmem:$0x4080] =	vst v63  }
0x2d: {  	_ = 	snop  }
0x2e: {  	[tilespmem:s16], [sflag:$0x1] =	stream.indirect_vreg.gather [hbm4b:s5+s2], $0x80, v3, vm0, $0xb8;
	[tilespmem:$0x4080] =	vst v63  }
0x2f: {  	_ =	swait.ge [sflag:s17], $0x4000  }
0x30: {  	p0 =	sne.s32 s7, $0x1;
	[sflag:s17] =	ssyncset.done $0x0  }
.Ltmp0:
0x31: {  	[sflag:s17] =	ssyncadd.s32 $0xFFFFC000;
	(pc) =	sbr.rel @p0 .LBB2_1-.Ltmp0, $4  }
0x32: {  	[hbm4b:s6+s2] =	stream.linear.scatter [tilespmem:s9], [sflag:$0x2], $0x4000, $0x38;
	[tilespmem:$0x4080] =	vst v63  }
0x33: {  	_ =	swait.ge [sflag:s18], $0x4000  }
0x34: {  	[sflag:s18] =	ssyncset.done $0x0  }
0x35: {  	s7 =	sadd.s32 $0xFFFFFFFF, s7;
	[sflag:s18] =	ssyncadd.s32 $0xFFFFC000  }
0x36: {  	_ =	sfence.sel $0x180000  }
0x37: {  	[bflag:$0x0] =	sbarrier.arrive $0xFFFF  }
0x38: {  	p0 =	sne.s32 s1, $0x0;
	_ =	strace $0x90000047  }
0x39: {  	s0 =	sadd.s32 @!p0 $0x100000, s0;
	[bflag:$0x2] =	sbarrier.arrive $0xFFFF  }
0x3a: {  	[sflag:s0] =	ssyncadd.tile.s32 @!p0 $0x1;
	_ =	shalt  }
.Lfunc_end2:
_tile_overlayer_lowered:
.L_overlay_start_2:
0x3b: {  	(tag) =	ssettag $0x2  }
0x3c: {  	s0 =	rddreg [dreg:$0x0];
	s2 =	stileid.u32  }
0x3d: {  	s1 =	rddreg [dreg:$0x1];
	p0 =	sne.s32 s2, $0x0  }
0x3e: {  	s3 =	rddreg [dreg:$0x2];
	[bflag:$0x3] =	sbarrier.arrive $0xFFFF;
	s2 =	simm.s32 @!p0 $0x1C03  }
0x3f: {  	[timem:s3], [sflag:s2] =	dma.local @!p0 [hbm:s0], s1  }
0x40: {  	s0 =	simm.s32 @!p0 $0x3  }
0x41: {  	_ =	swait.ge @!p0 [sflag:s0], s1  }
0x42: {  	s1 =	ssub.s32 @!p0 $0x0, s1;
	[sflag:s0] =	ssyncset.done @!p0 $0x0  }
0x43: {  	[sflag:s0] =	ssyncadd.s32 @!p0 s1  }
0x44: {  	[bflag:$0x3] =	sbarrier.arrive $0xFFFF  }
0x45: {  	_ =	shalt  }

</sc_bundles>
